<compile_context>
chip_gen: v7x
topology: tpu7x:2x2x1
jax: 0.10.2.dev20260603
libtpu: 0.0.44.dev20260713+nightly
codegen_flags: <defaults>
</compile_context>

<pallas_src>
import functools

import jax
import jax.numpy as jnp
from jax import lax
from jax.experimental import pallas as pl
from jax.experimental.pallas import tpu as pltpu
from jax.experimental.pallas import tpu_sc as plsc

MARGIN_SQ = 0.25

ROWS, COLS = 16384, 128
TOTAL = ROWS * COLS

SC_ROWS = 2048
TC_ROWS = ROWS - SC_ROWS
TC_TOTAL = TC_ROWS * COLS

NC, NS, L = 2, 16, 16
NW = NC * NS
PER_W = SC_ROWS * COLS // NW
CHUNK = PER_W // 2
NCHUNK = PER_W // CHUNK
UNROLL = 8
NACC = 4

TC_BLOCK = 3584
TC_GRID = TC_ROWS // TC_BLOCK


def _sc_partials(pred_flat, real_flat):
    mesh = plsc.VectorSubcoreMesh(core_axis_name="c", subcore_axis_name="s")

    @functools.partial(
        pl.kernel,
        mesh=mesh,
        out_type=[
            jax.ShapeDtypeStruct((NW, L), jnp.float32),
            jax.ShapeDtypeStruct((NW, L), jnp.float32),
        ],
        scratch_types=[
            pltpu.VMEM((2 * CHUNK,), jnp.float32),
            pltpu.VMEM((2 * CHUNK,), jnp.float32),
            pltpu.VMEM((L,), jnp.float32),
            pltpu.VMEM((L,), jnp.float32),
            pltpu.SemaphoreType.DMA,
            pltpu.SemaphoreType.DMA,
        ],
    )
    def body(pred_hbm, real_hbm, sq_out, cnt_out, pbuf, rbuf, sq_v, cnt_v,
             sem0, sem1):
        wid = lax.axis_index("s") * NC + lax.axis_index("c")
        base = TC_TOTAL + wid * PER_W
        sems = (sem0, sem1)

        def start(c):
            b = c % 2
            off = base + c * CHUNK
            hp = pltpu.async_copy(
                pred_hbm.at[pl.ds(off, CHUNK)],
                pbuf.at[pl.ds(b * CHUNK, CHUNK)], sems[b])
            hr = pltpu.async_copy(
                real_hbm.at[pl.ds(off, CHUNK)],
                rbuf.at[pl.ds(b * CHUNK, CHUNK)], sems[b])
            return hp, hr

        handles = [None] * NCHUNK
        handles[0] = start(0)

        zf = jnp.zeros((L,), jnp.float32)
        accs = (zf,) * (2 * NACC)

        for c in range(NCHUNK):
            if c + 1 < NCHUNK:
                handles[c + 1] = start(c + 1)
            hp, hr = handles[c]
            hp.wait()
            hr.wait()
            vbase = (c % 2) * CHUNK

            def vec_body(i, acc, vbase=vbase):
                sqs = list(acc[:NACC])
                cnts = list(acc[NACC:])
                o = vbase + i * (L * UNROLL)
                for u in range(UNROLL):
                    p = pbuf[pl.ds(o + u * L, L)]
                    r = rbuf[pl.ds(o + u * L, L)]
                    d = r - p
                    sq = d * d
                    m = sq > MARGIN_SQ
                    a = u % NACC
                    sqs[a] = sqs[a] + jnp.where(m, sq, 0.0)
                    cnts[a] = cnts[a] + jnp.where(m, 1.0, 0.0)
                return tuple(sqs) + tuple(cnts)

            accs = lax.fori_loop(0, CHUNK // (L * UNROLL), vec_body, accs)

        acc_sq = accs[0]
        acc_cnt = accs[NACC]
        for a in range(1, NACC):
            acc_sq = acc_sq + accs[a]
            acc_cnt = acc_cnt + accs[NACC + a]

        sq_v[...] = acc_sq
        cnt_v[...] = acc_cnt
        pltpu.sync_copy(sq_v, sq_out.at[wid])
        pltpu.sync_copy(cnt_v, cnt_out.at[wid])

    return body(pred_flat, real_flat)


def _tc_body(p_ref, r_ref, out_ref, acc_sq, acc_cnt):
    i = pl.program_id(0)
    p = p_ref[...]
    r = r_ref[...]
    d = r - p
    sq = d * d
    m = sq > MARGIN_SQ
    csq = jnp.sum(jnp.where(m, sq, 0.0).reshape(TC_BLOCK // 8, 8, COLS),
                  axis=0)
    ccnt = jnp.sum(jnp.where(m, 1.0, 0.0).reshape(TC_BLOCK // 8, 8, COLS),
                   axis=0)

    @pl.when(i == 0)
    def _():
        acc_sq[...] = csq
        acc_cnt[...] = ccnt

    @pl.when(i > 0)
    def _():
        acc_sq[...] += csq
        acc_cnt[...] += ccnt

    @pl.when(i == TC_GRID - 1)
    def _():
        out_ref[0, 0] = jnp.sum(acc_sq[...])
        out_ref[0, 1] = jnp.sum(acc_cnt[...])


def _tc_partials(pred, real):
    return pl.pallas_call(
        _tc_body,
        grid=(TC_GRID,),
        in_specs=[
            pl.BlockSpec((TC_BLOCK, COLS), lambda i: (i, 0)),
            pl.BlockSpec((TC_BLOCK, COLS), lambda i: (i, 0)),
        ],
        out_specs=pl.BlockSpec(memory_space=pltpu.SMEM),
        out_shape=jax.ShapeDtypeStruct((1, 2), jnp.float32),
        scratch_shapes=[
            pltpu.VMEM((8, COLS), jnp.float32),
            pltpu.VMEM((8, COLS), jnp.float32),
        ],
    )(pred, real)


def _combine_body(sc_sq_ref, sc_cnt_ref, tc_sn_ref, out_ref):
    s = jnp.sum(sc_sq_ref[...]) + tc_sn_ref[0, 0]
    n = jnp.sum(sc_cnt_ref[...]) + tc_sn_ref[0, 1]
    out_ref[0, 0] = jnp.where(n > 0.0, s / jnp.maximum(n, 1.0), 0.0)


def _combine(sc_sq, sc_cnt, tc_sn):
    return pl.pallas_call(
        _combine_body,
        in_specs=[
            pl.BlockSpec((NW, L), lambda: (0, 0)),
            pl.BlockSpec((NW, L), lambda: (0, 0)),
            pl.BlockSpec(memory_space=pltpu.SMEM),
        ],
        out_shape=jax.ShapeDtypeStruct((1, 1), jnp.float32),
        out_specs=pl.BlockSpec(memory_space=pltpu.SMEM),
    )(sc_sq, sc_cnt, tc_sn)


def kernel(pred, real):
    pred_flat = pred.reshape(TOTAL)
    real_flat = real.reshape(TOTAL)
    sc_sq, sc_cnt = _sc_partials(pred_flat, real_flat)
    tc_sn = _tc_partials(pred, real)
    out = _combine(sc_sq, sc_cnt, tc_sn)
    return out[0, 0]

# --- scband reference (transcript-rebuilt; emitter-appended) ---
"""Pipeline reference for scband-hemloss-2095944041077 (READ-ONLY COPY).

The authoritative reference and input builder live on the scoring server;
editing this copy changes nothing except your own understanding.
"""

import jax, jax.numpy as jnp
import numpy as np

MARGIN = 0.5

def setup_inputs(seed: int = 0) -> dict:
    key = jax.random.key(seed)
    k1, k2 = jax.random.split(key)
    pred = jax.random.normal(k1, (16384, 128), dtype=jnp.float32)
    real = jax.random.normal(k2, (16384, 128), dtype=jnp.float32)
    return {"pred": pred, "real": real}

def reference(pred, real):
    # Hard-example-mining MSE: only elements with |real - pred| > margin
    # contribute; MSE (mean reduction) is taken over the selected elements.
    diff = real - pred
    cond = jnp.abs(diff) > MARGIN
    n = jnp.sum(cond.astype(jnp.int64))
    sq = diff * diff
    masked_sum = jnp.sum(jnp.where(cond, sq, jnp.zeros_like(sq)))
    hem_loss = masked_sum / jnp.maximum(n, 1).astype(sq.dtype)
    # if no element exceeds the margin, return 0.0 * mse(full) == 0
    zero_loss = 0.0 * jnp.mean(sq)
    return jnp.where(n > 0, hem_loss, zero_loss)

if __name__ == "__main__":
    import jax
    _d = setup_inputs()
    print(jax.jit(kernel)(*tuple(_d.values())))

</pallas_src>

<mosaic_0001>
#map = affine_map<(d0, d1) -> (0)>
#map1 = affine_map<(d0, d1) -> (0, 0)>
module attributes {stable_mosaic.version = 14 : i64} {
  func.func @body(%arg0: i32, %arg1: i32, %arg2: memref<2097152xf32, #tpu.memory_space<hbm>>, %arg3: memref<2097152xf32, #tpu.memory_space<hbm>>, %arg4: memref<32x16xf32, #tpu.memory_space<hbm>>, %arg5: memref<32x16xf32, #tpu.memory_space<hbm>>, %arg6: memref<8192xf32, #tpu.memory_space<vmem>>, %arg7: memref<8192xf32, #tpu.memory_space<vmem>>, %arg8: memref<16xf32, #tpu.memory_space<vmem>>, %arg9: memref<16xf32, #tpu.memory_space<vmem>>, %arg10: memref<!tpu.dma_semaphore, #tpu.memory_space<semaphore_mem>>, %arg11: memref<!tpu.dma_semaphore, #tpu.memory_space<semaphore_mem>>) attributes {dimension_semantics = [#tpu.dimension_semantics<core_parallel>, #tpu.dimension_semantics<subcore_parallel>], iteration_bounds = array<i64: 2, 16>, scalar_prefetch = 0 : i64, scratch_operands = 6 : i64, tpu.core_type = #tpu.core_type<sc_vector_subcore>, window_params = [{transform_indices = #map}, {transform_indices = #map}, {transform_indices = #map1}, {transform_indices = #map1}]} {
    %mul3A = arith.constant 2 : i32
    %mul3A_0 = arith.muli %arg1, %mul3A : i32
    %add3A = arith.addi %mul3A_0, %arg0 : i32
    %mul3A_1 = arith.constant 8192 : i32
    %mul3A_2 = arith.muli %add3A, %mul3A_1 : i32
    %add3A_3 = arith.constant 1835008 : i32
    %add3A_4 = arith.addi %add3A_3, %mul3A_2 : i32
    %add3A_5 = arith.constant 0 : i32
    %add3A_6 = arith.addi %add3A_4, %add3A_5 : i32
    %dma_start3A = arith.constant 0 : i32
    %dma_start3A_7 = tpu.memref_slice %arg6[%dma_start3A] : memref<8192xf32, #tpu.memory_space<vmem>> -> memref<4096xf32, #tpu.memory_space<vmem>>
    %dma_start3A_8 = tpu.memref_slice %arg2[%add3A_6] : memref<2097152xf32, #tpu.memory_space<hbm>> -> memref<4096xf32, #tpu.memory_space<hbm>>
    %dma_start3A_9 = arith.constant 0 : i32
    %dma_start3A_10 = tpu.memref_slice %arg6[%dma_start3A_9] : memref<8192xf32, #tpu.memory_space<vmem>> -> memref<4096xf32, #tpu.memory_space<vmem>>
    %dma_start3A_11 = tpu.memref_slice %arg2[%add3A_6] : memref<2097152xf32, #tpu.memory_space<hbm>> -> memref<4096xf32, #tpu.memory_space<hbm>>
    tpu.enqueue_dma source(%dma_start3A_11 : memref<4096xf32, #tpu.memory_space<hbm>>) target(%dma_start3A_10 : memref<4096xf32, #tpu.memory_space<vmem>>) target_semaphore(%arg10 : memref<!tpu.dma_semaphore, #tpu.memory_space<semaphore_mem>>)
    %dma_start3A_12 = arith.constant 0 : i32
    %dma_start3A_13 = tpu.memref_slice %arg7[%dma_start3A_12] : memref<8192xf32, #tpu.memory_space<vmem>> -> memref<4096xf32, #tpu.memory_space<vmem>>
    %dma_start3A_14 = tpu.memref_slice %arg3[%add3A_6] : memref<2097152xf32, #tpu.memory_space<hbm>> -> memref<4096xf32, #tpu.memory_space<hbm>>
    %dma_start3A_15 = arith.constant 0 : i32
    %dma_start3A_16 = tpu.memref_slice %arg7[%dma_start3A_15] : memref<8192xf32, #tpu.memory_space<vmem>> -> memref<4096xf32, #tpu.memory_space<vmem>>
    %dma_start3A_17 = tpu.memref_slice %arg3[%add3A_6] : memref<2097152xf32, #tpu.memory_space<hbm>> -> memref<4096xf32, #tpu.memory_space<hbm>>
    tpu.enqueue_dma source(%dma_start3A_17 : memref<4096xf32, #tpu.memory_space<hbm>>) target(%dma_start3A_16 : memref<4096xf32, #tpu.memory_space<vmem>>) target_semaphore(%arg10 : memref<!tpu.dma_semaphore, #tpu.memory_space<semaphore_mem>>)
    %broadcast_in_dim3A = arith.constant 0.000000e+00 : f32
    %broadcast_in_dim3A_18 = vector.broadcast %broadcast_in_dim3A : f32 to vector<16xf32>
    %add3A_19 = arith.constant 4096 : i32
    %add3A_20 = arith.addi %add3A_4, %add3A_19 : i32
    %dma_start3A_21 = arith.constant 4096 : i32
    %dma_start3A_22 = tpu.memref_slice %arg6[%dma_start3A_21] : memref<8192xf32, #tpu.memory_space<vmem>> -> memref<4096xf32, #tpu.memory_space<vmem>>
    %dma_start3A_23 = tpu.memref_slice %arg2[%add3A_20] : memref<2097152xf32, #tpu.memory_space<hbm>> -> memref<4096xf32, #tpu.memory_space<hbm>>
    %dma_start3A_24 = arith.constant 4096 : i32
    %dma_start3A_25 = tpu.memref_slice %arg6[%dma_start3A_24] : memref<8192xf32, #tpu.memory_space<vmem>> -> memref<4096xf32, #tpu.memory_space<vmem>>
    %dma_start3A_26 = tpu.memref_slice %arg2[%add3A_20] : memref<2097152xf32, #tpu.memory_space<hbm>> -> memref<4096xf32, #tpu.memory_space<hbm>>
    tpu.enqueue_dma source(%dma_start3A_26 : memref<4096xf32, #tpu.memory_space<hbm>>) target(%dma_start3A_25 : memref<4096xf32, #tpu.memory_space<vmem>>) target_semaphore(%arg11 : memref<!tpu.dma_semaphore, #tpu.memory_space<semaphore_mem>>)
    %dma_start3A_27 = arith.constant 4096 : i32
    %dma_start3A_28 = tpu.memref_slice %arg7[%dma_start3A_27] : memref<8192xf32, #tpu.memory_space<vmem>> -> memref<4096xf32, #tpu.memory_space<vmem>>
    %dma_start3A_29 = tpu.memref_slice %arg3[%add3A_20] : memref<2097152xf32, #tpu.memory_space<hbm>> -> memref<4096xf32, #tpu.memory_space<hbm>>
    %dma_start3A_30 = arith.constant 4096 : i32
    %dma_start3A_31 = tpu.memref_slice %arg7[%dma_start3A_30] : memref<8192xf32, #tpu.memory_space<vmem>> -> memref<4096xf32, #tpu.memory_space<vmem>>
    %dma_start3A_32 = tpu.memref_slice %arg3[%add3A_20] : memref<2097152xf32, #tpu.memory_space<hbm>> -> memref<4096xf32, #tpu.memory_space<hbm>>
    tpu.enqueue_dma source(%dma_start3A_32 : memref<4096xf32, #tpu.memory_space<hbm>>) target(%dma_start3A_31 : memref<4096xf32, #tpu.memory_space<vmem>>) target_semaphore(%arg11 : memref<!tpu.dma_semaphore, #tpu.memory_space<semaphore_mem>>)
    %dma_wait3A = arith.constant 0 : i32
    %dma_wait3A_33 = tpu.memref_slice %arg6[%dma_wait3A] : memref<8192xf32, #tpu.memory_space<vmem>> -> memref<4096xf32, #tpu.memory_space<vmem>>
    %dma_wait3A_34 = tpu.memref_slice %arg2[%add3A_6] : memref<2097152xf32, #tpu.memory_space<hbm>> -> memref<4096xf32, #tpu.memory_space<hbm>>
    %dma_wait3A_35 = arith.constant 0 : i32
    %dma_wait3A_36 = tpu.memref_slice %arg6[%dma_wait3A_35] : memref<8192xf32, #tpu.memory_space<vmem>> -> memref<4096xf32, #tpu.memory_space<vmem>>
    %dma_wait3A_37 = tpu.memref_slice %arg2[%add3A_6] : memref<2097152xf32, #tpu.memory_space<hbm>> -> memref<4096xf32, #tpu.memory_space<hbm>>
    tpu.wait_dma2 semaphore(%arg10 : memref<!tpu.dma_semaphore, #tpu.memory_space<semaphore_mem>>) src(%dma_wait3A_37 : memref<4096xf32, #tpu.memory_space<hbm>>) dst(%dma_wait3A_36 : memref<4096xf32, #tpu.memory_space<vmem>>)
    %dma_wait3A_38 = arith.constant 0 : i32
    %dma_wait3A_39 = tpu.memref_slice %arg7[%dma_wait3A_38] : memref<8192xf32, #tpu.memory_space<vmem>> -> memref<4096xf32, #tpu.memory_space<vmem>>
    %dma_wait3A_40 = tpu.memref_slice %arg3[%add3A_6] : memref<2097152xf32, #tpu.memory_space<hbm>> -> memref<4096xf32, #tpu.memory_space<hbm>>
    %dma_wait3A_41 = arith.constant 0 : i32
    %dma_wait3A_42 = tpu.memref_slice %arg7[%dma_wait3A_41] : memref<8192xf32, #tpu.memory_space<vmem>> -> memref<4096xf32, #tpu.memory_space<vmem>>
    %dma_wait3A_43 = tpu.memref_slice %arg3[%add3A_6] : memref<2097152xf32, #tpu.memory_space<hbm>> -> memref<4096xf32, #tpu.memory_space<hbm>>
    tpu.wait_dma2 semaphore(%arg10 : memref<!tpu.dma_semaphore, #tpu.memory_space<semaphore_mem>>) src(%dma_wait3A_43 : memref<4096xf32, #tpu.memory_space<hbm>>) dst(%dma_wait3A_42 : memref<4096xf32, #tpu.memory_space<vmem>>)
    %scan3A = arith.constant 0 : i32
    %scan3A_44 = arith.constant 32 : i32
    %scan3A_45 = arith.addi %scan3A, %scan3A_44 : i32
    %scan3A_46 = arith.constant 1 : i32
    %scan3A_47:8 = scf.for %scan3A_80 = %scan3A to %scan3A_45 step %scan3A_46 iter_args(%scan3A_81 = %broadcast_in_dim3A_18, %scan3A_82 = %broadcast_in_dim3A_18, %scan3A_83 = %broadcast_in_dim3A_18, %scan3A_84 = %broadcast_in_dim3A_18, %scan3A_85 = %broadcast_in_dim3A_18, %scan3A_86 = %broadcast_in_dim3A_18, %scan3A_87 = %broadcast_in_dim3A_18, %scan3A_88 = %broadcast_in_dim3A_18) -> (vector<16xf32>, vector<16xf32>, vector<16xf32>, vector<16xf32>, vector<16xf32>, vector<16xf32>, vector<16xf32>, vector<16xf32>)  : i32 {
      %mul3A_89 = arith.constant 128 : i32
      %mul3A_90 = arith.muli %scan3A_80, %mul3A_89 : i32
      %add3A_91 = arith.constant 0 : i32
      %add3A_92 = arith.addi %add3A_91, %mul3A_90 : i32
      %add3A_93 = arith.constant 0 : i32
      %add3A_94 = arith.addi %add3A_92, %add3A_93 : i32
      %get3A = arith.index_cast %add3A_94 : i32 to index
      %get3A_95 = tpu.vector_load %arg6[%get3A] {strides = array<i32>} : memref<8192xf32, #tpu.memory_space<vmem>>, vector<16xf32>,
      %get3A_96 = vector.shape_cast %get3A_95 : vector<16xf32> to vector<16xf32>
      %add3A_97 = arith.constant 0 : i32
      %add3A_98 = arith.addi %add3A_92, %add3A_97 : i32
      %get3A_99 = arith.index_cast %add3A_98 : i32 to index
      %get3A_100 = tpu.vector_load %arg7[%get3A_99] {strides = array<i32>} : memref<8192xf32, #tpu.memory_space<vmem>>, vector<16xf32>,
      %get3A_101 = vector.shape_cast %get3A_100 : vector<16xf32> to vector<16xf32>
      %sub3A = arith.subf %get3A_101, %get3A_96 : vector<16xf32>
      %mul3A_102 = arith.mulf %sub3A, %sub3A : vector<16xf32>
      %gt3A = arith.constant 2.500000e-01 : f32
      %gt3A_103 = vector.broadcast %gt3A : f32 to vector<16xf32>
      %gt3A_104 = arith.cmpf ogt, %mul3A_102, %gt3A_103 : vector<16xf32>
      %jit3A = arith.constant 0.000000e+00 : f32
      %broadcast_in_dim3A_105 = vector.broadcast %jit3A : f32 to vector<16xf32>
      %select_n3A = arith.select %gt3A_104, %mul3A_102, %broadcast_in_dim3A_105 : vector<16xi1>, vector<16xf32>
      %add3A_106 = arith.addf %scan3A_81, %select_n3A : vector<16xf32>
      %jit3A_107 = arith.constant 1.000000e+00 : f32
      %jit3A_108 = arith.constant 0.000000e+00 : f32
      %broadcast_in_dim3A_109 = vector.broadcast %jit3A_107 : f32 to vector<16xf32>
      %broadcast_in_dim3A_110 = vector.broadcast %jit3A_108 : f32 to vector<16xf32>
      %select_n3A_111 = arith.select %gt3A_104, %broadcast_in_dim3A_109, %broadcast_in_dim3A_110 : vector<16xi1>, vector<16xf32>
      %add3A_112 = arith.addf %scan3A_85, %select_n3A_111 : vector<16xf32>
      %add3A_113 = arith.constant 16 : i32
      %add3A_114 = arith.addi %add3A_92, %add3A_113 : i32
      %get3A_115 = arith.index_cast %add3A_114 : i32 to index
      %get3A_116 = tpu.vector_load %arg6[%get3A_115] {strides = array<i32>} : memref<8192xf32, #tpu.memory_space<vmem>>, vector<16xf32>,
      %get3A_117 = vector.shape_cast %get3A_116 : vector<16xf32> to vector<16xf32>
      %add3A_118 = arith.constant 16 : i32
      %add3A_119 = arith.addi %add3A_92, %add3A_118 : i32
      %get3A_120 = arith.index_cast %add3A_119 : i32 to index
      %get3A_121 = tpu.vector_load %arg7[%get3A_120] {strides = array<i32>} : memref<8192xf32, #tpu.memory_space<vmem>>, vector<16xf32>,
      %get3A_122 = vector.shape_cast %get3A_121 : vector<16xf32> to vector<16xf32>
      %sub3A_123 = arith.subf %get3A_122, %get3A_117 : vector<16xf32>
      %mul3A_124 = arith.mulf %sub3A_123, %sub3A_123 : vector<16xf32>
      %gt3A_125 = arith.constant 2.500000e-01 : f32
      %gt3A_126 = vector.broadcast %gt3A_125 : f32 to vector<16xf32>
      %gt3A_127 = arith.cmpf ogt, %mul3A_124, %gt3A_126 : vector<16xf32>
      %jit3A_128 = arith.constant 0.000000e+00 : f32
      %broadcast_in_dim3A_129 = vector.broadcast %jit3A_128 : f32 to vector<16xf32>
      %select_n3A_130 = arith.select %gt3A_127, %mul3A_124, %broadcast_in_dim3A_129 : vector<16xi1>, vector<16xf32>
      %add3A_131 = arith.addf %scan3A_82, %select_n3A_130 : vector<16xf32>
      %jit3A_132 = arith.constant 1.000000e+00 : f32
      %jit3A_133 = arith.constant 0.000000e+00 : f32
      %broadcast_in_dim3A_134 = vector.broadcast %jit3A_132 : f32 to vector<16xf32>
      %broadcast_in_dim3A_135 = vector.broadcast %jit3A_133 : f32 to vector<16xf32>
      %select_n3A_136 = arith.select %gt3A_127, %broadcast_in_dim3A_134, %broadcast_in_dim3A_135 : vector<16xi1>, vector<16xf32>
      %add3A_137 = arith.addf %scan3A_86, %select_n3A_136 : vector<16xf32>
      %add3A_138 = arith.constant 32 : i32
      %add3A_139 = arith.addi %add3A_92, %add3A_138 : i32
      %get3A_140 = arith.index_cast %add3A_139 : i32 to index
      %get3A_141 = tpu.vector_load %arg6[%get3A_140] {strides = array<i32>} : memref<8192xf32, #tpu.memory_space<vmem>>, vector<16xf32>,
      %get3A_142 = vector.shape_cast %get3A_141 : vector<16xf32> to vector<16xf32>
      %add3A_143 = arith.constant 32 : i32
      %add3A_144 = arith.addi %add3A_92, %add3A_143 : i32
      %get3A_145 = arith.index_cast %add3A_144 : i32 to index
      %get3A_146 = tpu.vector_load %arg7[%get3A_145] {strides = array<i32>} : memref<8192xf32, #tpu.memory_space<vmem>>, vector<16xf32>,
      %get3A_147 = vector.shape_cast %get3A_146 : vector<16xf32> to vector<16xf32>
      %sub3A_148 = arith.subf %get3A_147, %get3A_142 : vector<16xf32>
      %mul3A_149 = arith.mulf %sub3A_148, %sub3A_148 : vector<16xf32>
      %gt3A_150 = arith.constant 2.500000e-01 : f32
      %gt3A_151 = vector.broadcast %gt3A_150 : f32 to vector<16xf32>
      %gt3A_152 = arith.cmpf ogt, %mul3A_149, %gt3A_151 : vector<16xf32>
      %jit3A_153 = arith.constant 0.000000e+00 : f32
      %broadcast_in_dim3A_154 = vector.broadcast %jit3A_153 : f32 to vector<16xf32>
      %select_n3A_155 = arith.select %gt3A_152, %mul3A_149, %broadcast_in_dim3A_154 : vector<16xi1>, vector<16xf32>
      %add3A_156 = arith.addf %scan3A_83, %select_n3A_155 : vector<16xf32>
      %jit3A_157 = arith.constant 1.000000e+00 : f32
      %jit3A_158 = arith.constant 0.000000e+00 : f32
      %broadcast_in_dim3A_159 = vector.broadcast %jit3A_157 : f32 to vector<16xf32>
      %broadcast_in_dim3A_160 = vector.broadcast %jit3A_158 : f32 to vector<16xf32>
      %select_n3A_161 = arith.select %gt3A_152, %broadcast_in_dim3A_159, %broadcast_in_dim3A_160 : vector<16xi1>, vector<16xf32>
      %add3A_162 = arith.addf %scan3A_87, %select_n3A_161 : vector<16xf32>
      %add3A_163 = arith.constant 48 : i32
      %add3A_164 = arith.addi %add3A_92, %add3A_163 : i32
      %get3A_165 = arith.index_cast %add3A_164 : i32 to index
      %get3A_166 = tpu.vector_load %arg6[%get3A_165] {strides = array<i32>} : memref<8192xf32, #tpu.memory_space<vmem>>, vector<16xf32>,
      %get3A_167 = vector.shape_cast %get3A_166 : vector<16xf32> to vector<16xf32>
      %add3A_168 = arith.constant 48 : i32
      %add3A_169 = arith.addi %add3A_92, %add3A_168 : i32
      %get3A_170 = arith.index_cast %add3A_169 : i32 to index
      %get3A_171 = tpu.vector_load %arg7[%get3A_170] {strides = array<i32>} : memref<8192xf32, #tpu.memory_space<vmem>>, vector<16xf32>,
      %get3A_172 = vector.shape_cast %get3A_171 : vector<16xf32> to vector<16xf32>
      %sub3A_173 = arith.subf %get3A_172, %get3A_167 : vector<16xf32>
      %mul3A_174 = arith.mulf %sub3A_173, %sub3A_173 : vector<16xf32>
      %gt3A_175 = arith.constant 2.500000e-01 : f32
      %gt3A_176 = vector.broadcast %gt3A_175 : f32 to vector<16xf32>
      %gt3A_177 = arith.cmpf ogt, %mul3A_174, %gt3A_176 : vector<16xf32>
      %jit3A_178 = arith.constant 0.000000e+00 : f32
      %broadcast_in_dim3A_179 = vector.broadcast %jit3A_178 : f32 to vector<16xf32>
      %select_n3A_180 = arith.select %gt3A_177, %mul3A_174, %broadcast_in_dim3A_179 : vector<16xi1>, vector<16xf32>
      %add3A_181 = arith.addf %scan3A_84, %select_n3A_180 : vector<16xf32>
      %jit3A_182 = arith.constant 1.000000e+00 : f32
      %jit3A_183 = arith.constant 0.000000e+00 : f32
      %broadcast_in_dim3A_184 = vector.broadcast %jit3A_182 : f32 to vector<16xf32>
      %broadcast_in_dim3A_185 = vector.broadcast %jit3A_183 : f32 to vector<16xf32>
      %select_n3A_186 = arith.select %gt3A_177, %broadcast_in_dim3A_184, %broadcast_in_dim3A_185 : vector<16xi1>, vector<16xf32>
      %add3A_187 = arith.addf %scan3A_88, %select_n3A_186 : vector<16xf32>
      %add3A_188 = arith.constant 64 : i32
      %add3A_189 = arith.addi %add3A_92, %add3A_188 : i32
      %get3A_190 = arith.index_cast %add3A_189 : i32 to index
      %get3A_191 = tpu.vector_load %arg6[%get3A_190] {strides = array<i32>} : memref<8192xf32, #tpu.memory_space<vmem>>, vector<16xf32>,
      %get3A_192 = vector.shape_cast %get3A_191 : vector<16xf32> to vector<16xf32>
      %add3A_193 = arith.constant 64 : i32
      %add3A_194 = arith.addi %add3A_92, %add3A_193 : i32
      %get3A_195 = arith.index_cast %add3A_194 : i32 to index
      %get3A_196 = tpu.vector_load %arg7[%get3A_195] {strides = array<i32>} : memref<8192xf32, #tpu.memory_space<vmem>>, vector<16xf32>,
      %get3A_197 = vector.shape_cast %get3A_196 : vector<16xf32> to vector<16xf32>
      %sub3A_198 = arith.subf %get3A_197, %get3A_192 : vector<16xf32>
      %mul3A_199 = arith.mulf %sub3A_198, %sub3A_198 : vector<16xf32>
      %gt3A_200 = arith.constant 2.500000e-01 : f32
      %gt3A_201 = vector.broadcast %gt3A_200 : f32 to vector<16xf32>
      %gt3A_202 = arith.cmpf ogt, %mul3A_199, %gt3A_201 : vector<16xf32>
      %jit3A_203 = arith.constant 0.000000e+00 : f32
      %broadcast_in_dim3A_204 = vector.broadcast %jit3A_203 : f32 to vector<16xf32>
      %select_n3A_205 = arith.select %gt3A_202, %mul3A_199, %broadcast_in_dim3A_204 : vector<16xi1>, vector<16xf32>
      %add3A_206 = arith.addf %add3A_106, %select_n3A_205 : vector<16xf32>
      %jit3A_207 = arith.constant 1.000000e+00 : f32
      %jit3A_208 = arith.constant 0.000000e+00 : f32
      %broadcast_in_dim3A_209 = vector.broadcast %jit3A_207 : f32 to vector<16xf32>
      %broadcast_in_dim3A_210 = vector.broadcast %jit3A_208 : f32 to vector<16xf32>
      %select_n3A_211 = arith.select %gt3A_202, %broadcast_in_dim3A_209, %broadcast_in_dim3A_210 : vector<16xi1>, vector<16xf32>
      %add3A_212 = arith.addf %add3A_112, %select_n3A_211 : vector<16xf32>
      %add3A_213 = arith.constant 80 : i32
      %add3A_214 = arith.addi %add3A_92, %add3A_213 : i32
      %get3A_215 = arith.index_cast %add3A_214 : i32 to index
      %get3A_216 = tpu.vector_load %arg6[%get3A_215] {strides = array<i32>} : memref<8192xf32, #tpu.memory_space<vmem>>, vector<16xf32>,
      %get3A_217 = vector.shape_cast %get3A_216 : vector<16xf32> to vector<16xf32>
      %add3A_218 = arith.constant 80 : i32
      %add3A_219 = arith.addi %add3A_92, %add3A_218 : i32
      %get3A_220 = arith.index_cast %add3A_219 : i32 to index
      %get3A_221 = tpu.vector_load %arg7[%get3A_220] {strides = array<i32>} : memref<8192xf32, #tpu.memory_space<vmem>>, vector<16xf32>,
      %get3A_222 = vector.shape_cast %get3A_221 : vector<16xf32> to vector<16xf32>
      %sub3A_223 = arith.subf %get3A_222, %get3A_217 : vector<16xf32>
      %mul3A_224 = arith.mulf %sub3A_223, %sub3A_223 : vector<16xf32>
      %gt3A_225 = arith.constant 2.500000e-01 : f32
      %gt3A_226 = vector.broadcast %gt3A_225 : f32 to vector<16xf32>
      %gt3A_227 = arith.cmpf ogt, %mul3A_224, %gt3A_226 : vector<16xf32>
      %jit3A_228 = arith.constant 0.000000e+00 : f32
      %broadcast_in_dim3A_229 = vector.broadcast %jit3A_228 : f32 to vector<16xf32>
      %select_n3A_230 = arith.select %gt3A_227, %mul3A_224, %broadcast_in_dim3A_229 : vector<16xi1>, vector<16xf32>
      %add3A_231 = arith.addf %add3A_131, %select_n3A_230 : vector<16xf32>
      %jit3A_232 = arith.constant 1.000000e+00 : f32
      %jit3A_233 = arith.constant 0.000000e+00 : f32
      %broadcast_in_dim3A_234 = vector.broadcast %jit3A_232 : f32 to vector<16xf32>
      %broadcast_in_dim3A_235 = vector.broadcast %jit3A_233 : f32 to vector<16xf32>
      %select_n3A_236 = arith.select %gt3A_227, %broadcast_in_dim3A_234, %broadcast_in_dim3A_235 : vector<16xi1>, vector<16xf32>
      %add3A_237 = arith.addf %add3A_137, %select_n3A_236 : vector<16xf32>
      %add3A_238 = arith.constant 96 : i32
      %add3A_239 = arith.addi %add3A_92, %add3A_238 : i32
      %get3A_240 = arith.index_cast %add3A_239 : i32 to index
      %get3A_241 = tpu.vector_load %arg6[%get3A_240] {strides = array<i32>} : memref<8192xf32, #tpu.memory_space<vmem>>, vector<16xf32>,
      %get3A_242 = vector.shape_cast %get3A_241 : vector<16xf32> to vector<16xf32>
      %add3A_243 = arith.constant 96 : i32
      %add3A_244 = arith.addi %add3A_92, %add3A_243 : i32
      %get3A_245 = arith.index_cast %add3A_244 : i32 to index
      %get3A_246 = tpu.vector_load %arg7[%get3A_245] {strides = array<i32>} : memref<8192xf32, #tpu.memory_space<vmem>>, vector<16xf32>,
      %get3A_247 = vector.shape_cast %get3A_246 : vector<16xf32> to vector<16xf32>
      %sub3A_248 = arith.subf %get3A_247, %get3A_242 : vector<16xf32>
      %mul3A_249 = arith.mulf %sub3A_248, %sub3A_248 : vector<16xf32>
      %gt3A_250 = arith.constant 2.500000e-01 : f32
      %gt3A_251 = vector.broadcast %gt3A_250 : f32 to vector<16xf32>
      %gt3A_252 = arith.cmpf ogt, %mul3A_249, %gt3A_251 : vector<16xf32>
      %jit3A_253 = arith.constant 0.000000e+00 : f32
      %broadcast_in_dim3A_254 = vector.broadcast %jit3A_253 : f32 to vector<16xf32>
      %select_n3A_255 = arith.select %gt3A_252, %mul3A_249, %broadcast_in_dim3A_254 : vector<16xi1>, vector<16xf32>
      %add3A_256 = arith.addf %add3A_156, %select_n3A_255 : vector<16xf32>
      %jit3A_257 = arith.constant 1.000000e+00 : f32
      %jit3A_258 = arith.constant 0.000000e+00 : f32
      %broadcast_in_dim3A_259 = vector.broadcast %jit3A_257 : f32 to vector<16xf32>
      %broadcast_in_dim3A_260 = vector.broadcast %jit3A_258 : f32 to vector<16xf32>
      %select_n3A_261 = arith.select %gt3A_252, %broadcast_in_dim3A_259, %broadcast_in_dim3A_260 : vector<16xi1>, vector<16xf32>
      %add3A_262 = arith.addf %add3A_162, %select_n3A_261 : vector<16xf32>
      %add3A_263 = arith.constant 112 : i32
      %add3A_264 = arith.addi %add3A_92, %add3A_263 : i32
      %get3A_265 = arith.index_cast %add3A_264 : i32 to index
      %get3A_266 = tpu.vector_load %arg6[%get3A_265] {strides = array<i32>} : memref<8192xf32, #tpu.memory_space<vmem>>, vector<16xf32>,
      %get3A_267 = vector.shape_cast %get3A_266 : vector<16xf32> to vector<16xf32>
      %add3A_268 = arith.constant 112 : i32
      %add3A_269 = arith.addi %add3A_92, %add3A_268 : i32
      %get3A_270 = arith.index_cast %add3A_269 : i32 to index
      %get3A_271 = tpu.vector_load %arg7[%get3A_270] {strides = array<i32>} : memref<8192xf32, #tpu.memory_space<vmem>>, vector<16xf32>,
      %get3A_272 = vector.shape_cast %get3A_271 : vector<16xf32> to vector<16xf32>
      %sub3A_273 = arith.subf %get3A_272, %get3A_267 : vector<16xf32>
      %mul3A_274 = arith.mulf %sub3A_273, %sub3A_273 : vector<16xf32>
      %gt3A_275 = arith.constant 2.500000e-01 : f32
      %gt3A_276 = vector.broadcast %gt3A_275 : f32 to vector<16xf32>
      %gt3A_277 = arith.cmpf ogt, %mul3A_274, %gt3A_276 : vector<16xf32>
      %jit3A_278 = arith.constant 0.000000e+00 : f32
      %broadcast_in_dim3A_279 = vector.broadcast %jit3A_278 : f32 to vector<16xf32>
      %select_n3A_280 = arith.select %gt3A_277, %mul3A_274, %broadcast_in_dim3A_279 : vector<16xi1>, vector<16xf32>
      %add3A_281 = arith.addf %add3A_181, %select_n3A_280 : vector<16xf32>
      %jit3A_282 = arith.constant 1.000000e+00 : f32
      %jit3A_283 = arith.constant 0.000000e+00 : f32
      %broadcast_in_dim3A_284 = vector.broadcast %jit3A_282 : f32 to vector<16xf32>
      %broadcast_in_dim3A_285 = vector.broadcast %jit3A_283 : f32 to vector<16xf32>
      %select_n3A_286 = arith.select %gt3A_277, %broadcast_in_dim3A_284, %broadcast_in_dim3A_285 : vector<16xi1>, vector<16xf32>
      %add3A_287 = arith.addf %add3A_187, %select_n3A_286 : vector<16xf32>
      scf.yield %add3A_206, %add3A_231, %add3A_256, %add3A_281, %add3A_212, %add3A_237, %add3A_262, %add3A_287 : vector<16xf32>, vector<16xf32>, vector<16xf32>, vector<16xf32>, vector<16xf32>, vector<16xf32>, vector<16xf32>, vector<16xf32>
    }
    %scan3A_48 = arith.constant 32 : i32
    %dma_wait3A_49 = arith.constant 4096 : i32
    %dma_wait3A_50 = tpu.memref_slice %arg6[%dma_wait3A_49] : memref<8192xf32, #tpu.memory_space<vmem>> -> memref<4096xf32, #tpu.memory_space<vmem>>
    %dma_wait3A_51 = tpu.memref_slice %arg2[%add3A_20] : memref<2097152xf32, #tpu.memory_space<hbm>> -> memref<4096xf32, #tpu.memory_space<hbm>>
    %dma_wait3A_52 = arith.constant 4096 : i32
    %dma_wait3A_53 = tpu.memref_slice %arg6[%dma_wait3A_52] : memref<8192xf32, #tpu.memory_space<vmem>> -> memref<4096xf32, #tpu.memory_space<vmem>>
    %dma_wait3A_54 = tpu.memref_slice %arg2[%add3A_20] : memref<2097152xf32, #tpu.memory_space<hbm>> -> memref<4096xf32, #tpu.memory_space<hbm>>
    tpu.wait_dma2 semaphore(%arg11 : memref<!tpu.dma_semaphore, #tpu.memory_space<semaphore_mem>>) src(%dma_wait3A_54 : memref<4096xf32, #tpu.memory_space<hbm>>) dst(%dma_wait3A_53 : memref<4096xf32, #tpu.memory_space<vmem>>)
    %dma_wait3A_55 = arith.constant 4096 : i32
    %dma_wait3A_56 = tpu.memref_slice %arg7[%dma_wait3A_55] : memref<8192xf32, #tpu.memory_space<vmem>> -> memref<4096xf32, #tpu.memory_space<vmem>>
    %dma_wait3A_57 = tpu.memref_slice %arg3[%add3A_20] : memref<2097152xf32, #tpu.memory_space<hbm>> -> memref<4096xf32, #tpu.memory_space<hbm>>
    %dma_wait3A_58 = arith.constant 4096 : i32
    %dma_wait3A_59 = tpu.memref_slice %arg7[%dma_wait3A_58] : memref<8192xf32, #tpu.memory_space<vmem>> -> memref<4096xf32, #tpu.memory_space<vmem>>
    %dma_wait3A_60 = tpu.memref_slice %arg3[%add3A_20] : memref<2097152xf32, #tpu.memory_space<hbm>> -> memref<4096xf32, #tpu.memory_space<hbm>>
    tpu.wait_dma2 semaphore(%arg11 : memref<!tpu.dma_semaphore, #tpu.memory_space<semaphore_mem>>) src(%dma_wait3A_60 : memref<4096xf32, #tpu.memory_space<hbm>>) dst(%dma_wait3A_59 : memref<4096xf32, #tpu.memory_space<vmem>>)
    %scan3A_61 = arith.constant 0 : i32
    %scan3A_62 = arith.constant 32 : i32
    %scan3A_63 = arith.addi %scan3A_61, %scan3A_62 : i32
    %scan3A_64 = arith.constant 1 : i32
    %scan3A_65:8 = scf.for %scan3A_80 = %scan3A_61 to %scan3A_63 step %scan3A_64 iter_args(%scan3A_81 = %scan3A_47#0, %scan3A_82 = %scan3A_47#1, %scan3A_83 = %scan3A_47#2, %scan3A_84 = %scan3A_47#3, %scan3A_85 = %scan3A_47#4, %scan3A_86 = %scan3A_47#5, %scan3A_87 = %scan3A_47#6, %scan3A_88 = %scan3A_47#7) -> (vector<16xf32>, vector<16xf32>, vector<16xf32>, vector<16xf32>, vector<16xf32>, vector<16xf32>, vector<16xf32>, vector<16xf32>)  : i32 {
      %mul3A_89 = arith.constant 128 : i32
      %mul3A_90 = arith.muli %scan3A_80, %mul3A_89 : i32
      %add3A_91 = arith.constant 4096 : i32
      %add3A_92 = arith.addi %add3A_91, %mul3A_90 : i32
      %add3A_93 = arith.constant 0 : i32
      %add3A_94 = arith.addi %add3A_92, %add3A_93 : i32
      %get3A = arith.index_cast %add3A_94 : i32 to index
      %get3A_95 = tpu.vector_load %arg6[%get3A] {strides = array<i32>} : memref<8192xf32, #tpu.memory_space<vmem>>, vector<16xf32>,
      %get3A_96 = vector.shape_cast %get3A_95 : vector<16xf32> to vector<16xf32>
      %add3A_97 = arith.constant 0 : i32
      %add3A_98 = arith.addi %add3A_92, %add3A_97 : i32
      %get3A_99 = arith.index_cast %add3A_98 : i32 to index
      %get3A_100 = tpu.vector_load %arg7[%get3A_99] {strides = array<i32>} : memref<8192xf32, #tpu.memory_space<vmem>>, vector<16xf32>,
      %get3A_101 = vector.shape_cast %get3A_100 : vector<16xf32> to vector<16xf32>
      %sub3A = arith.subf %get3A_101, %get3A_96 : vector<16xf32>
      %mul3A_102 = arith.mulf %sub3A, %sub3A : vector<16xf32>
      %gt3A = arith.constant 2.500000e-01 : f32
      %gt3A_103 = vector.broadcast %gt3A : f32 to vector<16xf32>
      %gt3A_104 = arith.cmpf ogt, %mul3A_102, %gt3A_103 : vector<16xf32>
      %jit3A = arith.constant 0.000000e+00 : f32
      %broadcast_in_dim3A_105 = vector.broadcast %jit3A : f32 to vector<16xf32>
      %select_n3A = arith.select %gt3A_104, %mul3A_102, %broadcast_in_dim3A_105 : vector<16xi1>, vector<16xf32>
      %add3A_106 = arith.addf %scan3A_81, %select_n3A : vector<16xf32>
      %jit3A_107 = arith.constant 1.000000e+00 : f32
      %jit3A_108 = arith.constant 0.000000e+00 : f32
      %broadcast_in_dim3A_109 = vector.broadcast %jit3A_107 : f32 to vector<16xf32>
      %broadcast_in_dim3A_110 = vector.broadcast %jit3A_108 : f32 to vector<16xf32>
      %select_n3A_111 = arith.select %gt3A_104, %broadcast_in_dim3A_109, %broadcast_in_dim3A_110 : vector<16xi1>, vector<16xf32>
      %add3A_112 = arith.addf %scan3A_85, %select_n3A_111 : vector<16xf32>
      %add3A_113 = arith.constant 16 : i32
      %add3A_114 = arith.addi %add3A_92, %add3A_113 : i32
      %get3A_115 = arith.index_cast %add3A_114 : i32 to index
      %get3A_116 = tpu.vector_load %arg6[%get3A_115] {strides = array<i32>} : memref<8192xf32, #tpu.memory_space<vmem>>, vector<16xf32>,
      %get3A_117 = vector.shape_cast %get3A_116 : vector<16xf32> to vector<16xf32>
      %add3A_118 = arith.constant 16 : i32
      %add3A_119 = arith.addi %add3A_92, %add3A_118 : i32
      %get3A_120 = arith.index_cast %add3A_119 : i32 to index
      %get3A_121 = tpu.vector_load %arg7[%get3A_120] {strides = array<i32>} : memref<8192xf32, #tpu.memory_space<vmem>>, vector<16xf32>,
      %get3A_122 = vector.shape_cast %get3A_121 : vector<16xf32> to vector<16xf32>
      %sub3A_123 = arith.subf %get3A_122, %get3A_117 : vector<16xf32>
      %mul3A_124 = arith.mulf %sub3A_123, %sub3A_123 : vector<16xf32>
      %gt3A_125 = arith.constant 2.500000e-01 : f32
      %gt3A_126 = vector.broadcast %gt3A_125 : f32 to vector<16xf32>
      %gt3A_127 = arith.cmpf ogt, %mul3A_124, %gt3A_126 : vector<16xf32>
      %jit3A_128 = arith.constant 0.000000e+00 : f32
      %broadcast_in_dim3A_129 = vector.broadcast %jit3A_128 : f32 to vector<16xf32>
      %select_n3A_130 = arith.select %gt3A_127, %mul3A_124, %broadcast_in_dim3A_129 : vector<16xi1>, vector<16xf32>
      %add3A_131 = arith.addf %scan3A_82, %select_n3A_130 : vector<16xf32>
      %jit3A_132 = arith.constant 1.000000e+00 : f32
      %jit3A_133 = arith.constant 0.000000e+00 : f32
      %broadcast_in_dim3A_134 = vector.broadcast %jit3A_132 : f32 to vector<16xf32>
      %broadcast_in_dim3A_135 = vector.broadcast %jit3A_133 : f32 to vector<16xf32>
      %select_n3A_136 = arith.select %gt3A_127, %broadcast_in_dim3A_134, %broadcast_in_dim3A_135 : vector<16xi1>, vector<16xf32>
      %add3A_137 = arith.addf %scan3A_86, %select_n3A_136 : vector<16xf32>
      %add3A_138 = arith.constant 32 : i32
      %add3A_139 = arith.addi %add3A_92, %add3A_138 : i32
      %get3A_140 = arith.index_cast %add3A_139 : i32 to index
      %get3A_141 = tpu.vector_load %arg6[%get3A_140] {strides = array<i32>} : memref<8192xf32, #tpu.memory_space<vmem>>, vector<16xf32>,
      %get3A_142 = vector.shape_cast %get3A_141 : vector<16xf32> to vector<16xf32>
      %add3A_143 = arith.constant 32 : i32
      %add3A_144 = arith.addi %add3A_92, %add3A_143 : i32
      %get3A_145 = arith.index_cast %add3A_144 : i32 to index
      %get3A_146 = tpu.vector_load %arg7[%get3A_145] {strides = array<i32>} : memref<8192xf32, #tpu.memory_space<vmem>>, vector<16xf32>,
      %get3A_147 = vector.shape_cast %get3A_146 : vector<16xf32> to vector<16xf32>
      %sub3A_148 = arith.subf %get3A_147, %get3A_142 : vector<16xf32>
      %mul3A_149 = arith.mulf %sub3A_148, %sub3A_148 : vector<16xf32>
      %gt3A_150 = arith.constant 2.500000e-01 : f32
      %gt3A_151 = vector.broadcast %gt3A_150 : f32 to vector<16xf32>
      %gt3A_152 = arith.cmpf ogt, %mul3A_149, %gt3A_151 : vector<16xf32>
      %jit3A_153 = arith.constant 0.000000e+00 : f32
      %broadcast_in_dim3A_154 = vector.broadcast %jit3A_153 : f32 to vector<16xf32>
      %select_n3A_155 = arith.select %gt3A_152, %mul3A_149, %broadcast_in_dim3A_154 : vector<16xi1>, vector<16xf32>
      %add3A_156 = arith.addf %scan3A_83, %select_n3A_155 : vector<16xf32>
      %jit3A_157 = arith.constant 1.000000e+00 : f32
      %jit3A_158 = arith.constant 0.000000e+00 : f32
      %broadcast_in_dim3A_159 = vector.broadcast %jit3A_157 : f32 to vector<16xf32>
      %broadcast_in_dim3A_160 = vector.broadcast %jit3A_158 : f32 to vector<16xf32>
      %select_n3A_161 = arith.select %gt3A_152, %broadcast_in_dim3A_159, %broadcast_in_dim3A_160 : vector<16xi1>, vector<16xf32>
      %add3A_162 = arith.addf %scan3A_87, %select_n3A_161 : vector<16xf32>
      %add3A_163 = arith.constant 48 : i32
      %add3A_164 = arith.addi %add3A_92, %add3A_163 : i32
      %get3A_165 = arith.index_cast %add3A_164 : i32 to index
      %get3A_166 = tpu.vector_load %arg6[%get3A_165] {strides = array<i32>} : memref<8192xf32, #tpu.memory_space<vmem>>, vector<16xf32>,
      %get3A_167 = vector.shape_cast %get3A_166 : vector<16xf32> to vector<16xf32>
      %add3A_168 = arith.constant 48 : i32
      %add3A_169 = arith.addi %add3A_92, %add3A_168 : i32
      %get3A_170 = arith.index_cast %add3A_169 : i32 to index
      %get3A_171 = tpu.vector_load %arg7[%get3A_170] {strides = array<i32>} : memref<8192xf32, #tpu.memory_space<vmem>>, vector<16xf32>,
      %get3A_172 = vector.shape_cast %get3A_171 : vector<16xf32> to vector<16xf32>
      %sub3A_173 = arith.subf %get3A_172, %get3A_167 : vector<16xf32>
      %mul3A_174 = arith.mulf %sub3A_173, %sub3A_173 : vector<16xf32>
      %gt3A_175 = arith.constant 2.500000e-01 : f32
      %gt3A_176 = vector.broadcast %gt3A_175 : f32 to vector<16xf32>
      %gt3A_177 = arith.cmpf ogt, %mul3A_174, %gt3A_176 : vector<16xf32>
      %jit3A_178 = arith.constant 0.000000e+00 : f32
      %broadcast_in_dim3A_179 = vector.broadcast %jit3A_178 : f32 to vector<16xf32>
      %select_n3A_180 = arith.select %gt3A_177, %mul3A_174, %broadcast_in_dim3A_179 : vector<16xi1>, vector<16xf32>
      %add3A_181 = arith.addf %scan3A_84, %select_n3A_180 : vector<16xf32>
      %jit3A_182 = arith.constant 1.000000e+00 : f32
      %jit3A_183 = arith.constant 0.000000e+00 : f32
      %broadcast_in_dim3A_184 = vector.broadcast %jit3A_182 : f32 to vector<16xf32>
      %broadcast_in_dim3A_185 = vector.broadcast %jit3A_183 : f32 to vector<16xf32>
      %select_n3A_186 = arith.select %gt3A_177, %broadcast_in_dim3A_184, %broadcast_in_dim3A_185 : vector<16xi1>, vector<16xf32>
      %add3A_187 = arith.addf %scan3A_88, %select_n3A_186 : vector<16xf32>
      %add3A_188 = arith.constant 64 : i32
      %add3A_189 = arith.addi %add3A_92, %add3A_188 : i32
      %get3A_190 = arith.index_cast %add3A_189 : i32 to index
      %get3A_191 = tpu.vector_load %arg6[%get3A_190] {strides = array<i32>} : memref<8192xf32, #tpu.memory_space<vmem>>, vector<16xf32>,
      %get3A_192 = vector.shape_cast %get3A_191 : vector<16xf32> to vector<16xf32>
      %add3A_193 = arith.constant 64 : i32
      %add3A_194 = arith.addi %add3A_92, %add3A_193 : i32
      %get3A_195 = arith.index_cast %add3A_194 : i32 to index
      %get3A_196 = tpu.vector_load %arg7[%get3A_195] {strides = array<i32>} : memref<8192xf32, #tpu.memory_space<vmem>>, vector<16xf32>,
      %get3A_197 = vector.shape_cast %get3A_196 : vector<16xf32> to vector<16xf32>
      %sub3A_198 = arith.subf %get3A_197, %get3A_192 : vector<16xf32>
      %mul3A_199 = arith.mulf %sub3A_198, %sub3A_198 : vector<16xf32>
      %gt3A_200 = arith.constant 2.500000e-01 : f32
      %gt3A_201 = vector.broadcast %gt3A_200 : f32 to vector<16xf32>
      %gt3A_202 = arith.cmpf ogt, %mul3A_199, %gt3A_201 : vector<16xf32>
      %jit3A_203 = arith.constant 0.000000e+00 : f32
      %broadcast_in_dim3A_204 = vector.broadcast %jit3A_203 : f32 to vector<16xf32>
      %select_n3A_205 = arith.select %gt3A_202, %mul3A_199, %broadcast_in_dim3A_204 : vector<16xi1>, vector<16xf32>
      %add3A_206 = arith.addf %add3A_106, %select_n3A_205 : vector<16xf32>
      %jit3A_207 = arith.constant 1.000000e+00 : f32
      %jit3A_208 = arith.constant 0.000000e+00 : f32
      %broadcast_in_dim3A_209 = vector.broadcast %jit3A_207 : f32 to vector<16xf32>
      %broadcast_in_dim3A_210 = vector.broadcast %jit3A_208 : f32 to vector<16xf32>
      %select_n3A_211 = arith.select %gt3A_202, %broadcast_in_dim3A_209, %broadcast_in_dim3A_210 : vector<16xi1>, vector<16xf32>
      %add3A_212 = arith.addf %add3A_112, %select_n3A_211 : vector<16xf32>
      %add3A_213 = arith.constant 80 : i32
      %add3A_214 = arith.addi %add3A_92, %add3A_213 : i32
      %get3A_215 = arith.index_cast %add3A_214 : i32 to index
      %get3A_216 = tpu.vector_load %arg6[%get3A_215] {strides = array<i32>} : memref<8192xf32, #tpu.memory_space<vmem>>, vector<16xf32>,
      %get3A_217 = vector.shape_cast %get3A_216 : vector<16xf32> to vector<16xf32>
      %add3A_218 = arith.constant 80 : i32
      %add3A_219 = arith.addi %add3A_92, %add3A_218 : i32
      %get3A_220 = arith.index_cast %add3A_219 : i32 to index
      %get3A_221 = tpu.vector_load %arg7[%get3A_220] {strides = array<i32>} : memref<8192xf32, #tpu.memory_space<vmem>>, vector<16xf32>,
      %get3A_222 = vector.shape_cast %get3A_221 : vector<16xf32> to vector<16xf32>
      %sub3A_223 = arith.subf %get3A_222, %get3A_217 : vector<16xf32>
      %mul3A_224 = arith.mulf %sub3A_223, %sub3A_223 : vector<16xf32>
      %gt3A_225 = arith.constant 2.500000e-01 : f32
      %gt3A_226 = vector.broadcast %gt3A_225 : f32 to vector<16xf32>
      %gt3A_227 = arith.cmpf ogt, %mul3A_224, %gt3A_226 : vector<16xf32>
      %jit3A_228 = arith.constant 0.000000e+00 : f32
      %broadcast_in_dim3A_229 = vector.broadcast %jit3A_228 : f32 to vector<16xf32>
      %select_n3A_230 = arith.select %gt3A_227, %mul3A_224, %broadcast_in_dim3A_229 : vector<16xi1>, vector<16xf32>
      %add3A_231 = arith.addf %add3A_131, %select_n3A_230 : vector<16xf32>
      %jit3A_232 = arith.constant 1.000000e+00 : f32
      %jit3A_233 = arith.constant 0.000000e+00 : f32
      %broadcast_in_dim3A_234 = vector.broadcast %jit3A_232 : f32 to vector<16xf32>
      %broadcast_in_dim3A_235 = vector.broadcast %jit3A_233 : f32 to vector<16xf32>
      %select_n3A_236 = arith.select %gt3A_227, %broadcast_in_dim3A_234, %broadcast_in_dim3A_235 : vector<16xi1>, vector<16xf32>
      %add3A_237 = arith.addf %add3A_137, %select_n3A_236 : vector<16xf32>
      %add3A_238 = arith.constant 96 : i32
      %add3A_239 = arith.addi %add3A_92, %add3A_238 : i32
      %get3A_240 = arith.index_cast %add3A_239 : i32 to index
      %get3A_241 = tpu.vector_load %arg6[%get3A_240] {strides = array<i32>} : memref<8192xf32, #tpu.memory_space<vmem>>, vector<16xf32>,
      %get3A_242 = vector.shape_cast %get3A_241 : vector<16xf32> to vector<16xf32>
      %add3A_243 = arith.constant 96 : i32
      %add3A_244 = arith.addi %add3A_92, %add3A_243 : i32
      %get3A_245 = arith.index_cast %add3A_244 : i32 to index
      %get3A_246 = tpu.vector_load %arg7[%get3A_245] {strides = array<i32>} : memref<8192xf32, #tpu.memory_space<vmem>>, vector<16xf32>,
      %get3A_247 = vector.shape_cast %get3A_246 : vector<16xf32> to vector<16xf32>
      %sub3A_248 = arith.subf %get3A_247, %get3A_242 : vector<16xf32>
      %mul3A_249 = arith.mulf %sub3A_248, %sub3A_248 : vector<16xf32>
      %gt3A_250 = arith.constant 2.500000e-01 : f32
      %gt3A_251 = vector.broadcast %gt3A_250 : f32 to vector<16xf32>
      %gt3A_252 = arith.cmpf ogt, %mul3A_249, %gt3A_251 : vector<16xf32>
      %jit3A_253 = arith.constant 0.000000e+00 : f32
      %broadcast_in_dim3A_254 = vector.broadcast %jit3A_253 : f32 to vector<16xf32>
      %select_n3A_255 = arith.select %gt3A_252, %mul3A_249, %broadcast_in_dim3A_254 : vector<16xi1>, vector<16xf32>
      %add3A_256 = arith.addf %add3A_156, %select_n3A_255 : vector<16xf32>
      %jit3A_257 = arith.constant 1.000000e+00 : f32
      %jit3A_258 = arith.constant 0.000000e+00 : f32
      %broadcast_in_dim3A_259 = vector.broadcast %jit3A_257 : f32 to vector<16xf32>
      %broadcast_in_dim3A_260 = vector.broadcast %jit3A_258 : f32 to vector<16xf32>
      %select_n3A_261 = arith.select %gt3A_252, %broadcast_in_dim3A_259, %broadcast_in_dim3A_260 : vector<16xi1>, vector<16xf32>
      %add3A_262 = arith.addf %add3A_162, %select_n3A_261 : vector<16xf32>
      %add3A_263 = arith.constant 112 : i32
      %add3A_264 = arith.addi %add3A_92, %add3A_263 : i32
      %get3A_265 = arith.index_cast %add3A_264 : i32 to index
      %get3A_266 = tpu.vector_load %arg6[%get3A_265] {strides = array<i32>} : memref<8192xf32, #tpu.memory_space<vmem>>, vector<16xf32>,
      %get3A_267 = vector.shape_cast %get3A_266 : vector<16xf32> to vector<16xf32>
      %add3A_268 = arith.constant 112 : i32
      %add3A_269 = arith.addi %add3A_92, %add3A_268 : i32
      %get3A_270 = arith.index_cast %add3A_269 : i32 to index
      %get3A_271 = tpu.vector_load %arg7[%get3A_270] {strides = array<i32>} : memref<8192xf32, #tpu.memory_space<vmem>>, vector<16xf32>,
      %get3A_272 = vector.shape_cast %get3A_271 : vector<16xf32> to vector<16xf32>
      %sub3A_273 = arith.subf %get3A_272, %get3A_267 : vector<16xf32>
      %mul3A_274 = arith.mulf %sub3A_273, %sub3A_273 : vector<16xf32>
      %gt3A_275 = arith.constant 2.500000e-01 : f32
      %gt3A_276 = vector.broadcast %gt3A_275 : f32 to vector<16xf32>
      %gt3A_277 = arith.cmpf ogt, %mul3A_274, %gt3A_276 : vector<16xf32>
      %jit3A_278 = arith.constant 0.000000e+00 : f32
      %broadcast_in_dim3A_279 = vector.broadcast %jit3A_278 : f32 to vector<16xf32>
      %select_n3A_280 = arith.select %gt3A_277, %mul3A_274, %broadcast_in_dim3A_279 : vector<16xi1>, vector<16xf32>
      %add3A_281 = arith.addf %add3A_181, %select_n3A_280 : vector<16xf32>
      %jit3A_282 = arith.constant 1.000000e+00 : f32
      %jit3A_283 = arith.constant 0.000000e+00 : f32
      %broadcast_in_dim3A_284 = vector.broadcast %jit3A_282 : f32 to vector<16xf32>
      %broadcast_in_dim3A_285 = vector.broadcast %jit3A_283 : f32 to vector<16xf32>
      %select_n3A_286 = arith.select %gt3A_277, %broadcast_in_dim3A_284, %broadcast_in_dim3A_285 : vector<16xi1>, vector<16xf32>
      %add3A_287 = arith.addf %add3A_187, %select_n3A_286 : vector<16xf32>
      scf.yield %add3A_206, %add3A_231, %add3A_256, %add3A_281, %add3A_212, %add3A_237, %add3A_262, %add3A_287 : vector<16xf32>, vector<16xf32>, vector<16xf32>, vector<16xf32>, vector<16xf32>, vector<16xf32>, vector<16xf32>, vector<16xf32>
    }
    %scan3A_66 = arith.constant 32 : i32
    %add3A_67 = arith.addf %scan3A_65#0, %scan3A_65#1 : vector<16xf32>
    %add3A_68 = arith.addf %scan3A_65#4, %scan3A_65#5 : vector<16xf32>
    %add3A_69 = arith.addf %add3A_67, %scan3A_65#2 : vector<16xf32>
    %add3A_70 = arith.addf %add3A_68, %scan3A_65#6 : vector<16xf32>
    %add3A_71 = arith.addf %add3A_69, %scan3A_65#3 : vector<16xf32>
    %add3A_72 = arith.addf %add3A_70, %scan3A_65#7 : vector<16xf32>
    %swap3A = arith.constant 0 : index
    %swap3A_73 = tpu.vector_load %arg8[%swap3A] {strides = array<i32>} : memref<16xf32, #tpu.memory_space<vmem>>, vector<16xf32>,
    %swap3A_74 = vector.shape_cast %swap3A_73 : vector<16xf32> to vector<16xf32>
    %swap3A_75 = vector.shape_cast %add3A_71 : vector<16xf32> to vector<16xf32>
    tpu.vector_store %arg8[%swap3A], %swap3A_75 {strides = array<i32>} : memref<16xf32, #tpu.memory_space<vmem>>, vector<16xf32>,
    %swap3A_76 = arith.constant 0 : index
    %swap3A_77 = tpu.vector_load %arg9[%swap3A_76] {strides = array<i32>} : memref<16xf32, #tpu.memory_space<vmem>>, vector<16xf32>,
    %swap3A_78 = vector.shape_cast %swap3A_77 : vector<16xf32> to vector<16xf32>
    %swap3A_79 = vector.shape_cast %add3A_72 : vector<16xf32> to vector<16xf32>
    tpu.vector_store %arg9[%swap3A_76], %swap3A_79 {strides = array<i32>} : memref<16xf32, #tpu.memory_space<vmem>>, vector<16xf32>,
    "tpu.region"() ({
      %run_scoped3A = tpu.sem_alloc : memref<!tpu.dma_semaphore, #tpu.memory_space<semaphore_mem>>
      %dma_start3A_80 = arith.constant 0 : i32
      %dma_start3A_81 = tpu.memref_slice %arg4[%add3A, %dma_start3A_80] : memref<32x16xf32, #tpu.memory_space<hbm>> -> memref<1x16xf32, #tpu.memory_space<hbm>>
      %dma_start3A_82 = tpu.memref_squeeze %dma_start3A_81 : memref<1x16xf32, #tpu.memory_space<hbm>> -> memref<16xf32, #tpu.memory_space<hbm>>
      %dma_start3A_83 = arith.constant 0 : i32
      %dma_start3A_84 = tpu.memref_slice %arg4[%add3A, %dma_start3A_83] : memref<32x16xf32, #tpu.memory_space<hbm>> -> memref<1x16xf32, #tpu.memory_space<hbm>>
      %dma_start3A_85 = tpu.memref_squeeze %dma_start3A_84 : memref<1x16xf32, #tpu.memory_space<hbm>> -> memref<16xf32, #tpu.memory_space<hbm>>
      tpu.enqueue_dma source(%arg8 : memref<16xf32, #tpu.memory_space<vmem>>) target(%dma_start3A_85 : memref<16xf32, #tpu.memory_space<hbm>>) target_semaphore(%run_scoped3A : memref<!tpu.dma_semaphore, #tpu.memory_space<semaphore_mem>>)
      %dma_wait3A_86 = arith.constant 0 : i32
      %dma_wait3A_87 = tpu.memref_slice %arg4[%add3A, %dma_wait3A_86] : memref<32x16xf32, #tpu.memory_space<hbm>> -> memref<1x16xf32, #tpu.memory_space<hbm>>
      %dma_wait3A_88 = tpu.memref_squeeze %dma_wait3A_87 : memref<1x16xf32, #tpu.memory_space<hbm>> -> memref<16xf32, #tpu.memory_space<hbm>>
      %dma_wait3A_89 = arith.constant 0 : i32
      %dma_wait3A_90 = tpu.memref_slice %arg4[%add3A, %dma_wait3A_89] : memref<32x16xf32, #tpu.memory_space<hbm>> -> memref<1x16xf32, #tpu.memory_space<hbm>>
      %dma_wait3A_91 = tpu.memref_squeeze %dma_wait3A_90 : memref<1x16xf32, #tpu.memory_space<hbm>> -> memref<16xf32, #tpu.memory_space<hbm>>
      tpu.wait_dma2 semaphore(%run_scoped3A : memref<!tpu.dma_semaphore, #tpu.memory_space<semaphore_mem>>) src(%arg8 : memref<16xf32, #tpu.memory_space<vmem>>) dst(%dma_wait3A_91 : memref<16xf32, #tpu.memory_space<hbm>>)
      tpu.yield
    }) : () -> ()
    "tpu.region"() ({
      %run_scoped3A = tpu.sem_alloc : memref<!tpu.dma_semaphore, #tpu.memory_space<semaphore_mem>>
      %dma_start3A_80 = arith.constant 0 : i32
      %dma_start3A_81 = tpu.memref_slice %arg5[%add3A, %dma_start3A_80] : memref<32x16xf32, #tpu.memory_space<hbm>> -> memref<1x16xf32, #tpu.memory_space<hbm>>
      %dma_start3A_82 = tpu.memref_squeeze %dma_start3A_81 : memref<1x16xf32, #tpu.memory_space<hbm>> -> memref<16xf32, #tpu.memory_space<hbm>>
      %dma_start3A_83 = arith.constant 0 : i32
      %dma_start3A_84 = tpu.memref_slice %arg5[%add3A, %dma_start3A_83] : memref<32x16xf32, #tpu.memory_space<hbm>> -> memref<1x16xf32, #tpu.memory_space<hbm>>
      %dma_start3A_85 = tpu.memref_squeeze %dma_start3A_84 : memref<1x16xf32, #tpu.memory_space<hbm>> -> memref<16xf32, #tpu.memory_space<hbm>>
      tpu.enqueue_dma source(%arg9 : memref<16xf32, #tpu.memory_space<vmem>>) target(%dma_start3A_85 : memref<16xf32, #tpu.memory_space<hbm>>) target_semaphore(%run_scoped3A : memref<!tpu.dma_semaphore, #tpu.memory_space<semaphore_mem>>)
      %dma_wait3A_86 = arith.constant 0 : i32
      %dma_wait3A_87 = tpu.memref_slice %arg5[%add3A, %dma_wait3A_86] : memref<32x16xf32, #tpu.memory_space<hbm>> -> memref<1x16xf32, #tpu.memory_space<hbm>>
      %dma_wait3A_88 = tpu.memref_squeeze %dma_wait3A_87 : memref<1x16xf32, #tpu.memory_space<hbm>> -> memref<16xf32, #tpu.memory_space<hbm>>
      %dma_wait3A_89 = arith.constant 0 : i32
      %dma_wait3A_90 = tpu.memref_slice %arg5[%add3A, %dma_wait3A_89] : memref<32x16xf32, #tpu.memory_space<hbm>> -> memref<1x16xf32, #tpu.memory_space<hbm>>
      %dma_wait3A_91 = tpu.memref_squeeze %dma_wait3A_90 : memref<1x16xf32, #tpu.memory_space<hbm>> -> memref<16xf32, #tpu.memory_space<hbm>>
      tpu.wait_dma2 semaphore(%run_scoped3A : memref<!tpu.dma_semaphore, #tpu.memory_space<semaphore_mem>>) src(%arg9 : memref<16xf32, #tpu.memory_space<vmem>>) dst(%dma_wait3A_91 : memref<16xf32, #tpu.memory_space<hbm>>)
      tpu.yield
    }) : () -> ()
    return
  }
}

module attributes {stable_mosaic.version = 14 : i64} {
  func.func @_combine_body(%arg0: memref<32x16xf32, #tpu.memory_space<vmem>>, %arg1: memref<32x16xf32, #tpu.memory_space<vmem>>, %arg2: memref<1x2xf32, #tpu.memory_space<smem>>, %arg3: memref<1x1xf32, #tpu.memory_space<smem>>) attributes {dimension_semantics = [], scalar_prefetch = 0 : i64, scratch_operands = 0 : i64, tpu.core_type = #tpu.core_type<tc>} {
    %get3A = arith.constant 0 : index
    %get3A_0 = arith.constant 0 : index
    %get3A_1 = vector.load %arg0[%get3A, %get3A_0] : memref<32x16xf32, #tpu.memory_space<vmem>>, vector<32x16xf32>
    %reduce_sum3A = vector.shape_cast %get3A_1 : vector<32x16xf32> to vector<1x32x16xf32>
    %reduce_sum3A_2 = arith.constant dense<0.000000e+00> : vector<1xf32>
    %reduce_sum3A_3 = vector.multi_reduction <add>, %reduce_sum3A, %reduce_sum3A_2 [1, 2] : vector<1x32x16xf32> to vector<1xf32>
    %reduce_sum3A_4 = vector.shape_cast %reduce_sum3A_3 : vector<1xf32> to vector<1x1x1xf32>
    %reduce_sum3A_5 = vector.extract %reduce_sum3A_4[0, 0, 0] : f32 from vector<1x1x1xf32>
    %get3A_6 = arith.constant 0 : index
    %get3A_7 = arith.constant 0 : index
    %get3A_8 = memref.load %arg2[%get3A_6, %get3A_7] : memref<1x2xf32, #tpu.memory_space<smem>>
    %add3A = arith.addf %reduce_sum3A_5, %get3A_8 : f32
    %get3A_9 = arith.constant 0 : index
    %get3A_10 = arith.constant 0 : index
    %get3A_11 = vector.load %arg1[%get3A_9, %get3A_10] : memref<32x16xf32, #tpu.memory_space<vmem>>, vector<32x16xf32>
    %reduce_sum3A_12 = vector.shape_cast %get3A_11 : vector<32x16xf32> to vector<1x32x16xf32>
    %reduce_sum3A_13 = arith.constant dense<0.000000e+00> : vector<1xf32>
    %reduce_sum3A_14 = vector.multi_reduction <add>, %reduce_sum3A_12, %reduce_sum3A_13 [1, 2] : vector<1x32x16xf32> to vector<1xf32>
    %reduce_sum3A_15 = vector.shape_cast %reduce_sum3A_14 : vector<1xf32> to vector<1x1x1xf32>
    %reduce_sum3A_16 = vector.extract %reduce_sum3A_15[0, 0, 0] : f32 from vector<1x1x1xf32>
    %get3A_17 = arith.constant 0 : index
    %get3A_18 = arith.constant 1 : index
    %get3A_19 = memref.load %arg2[%get3A_17, %get3A_18] : memref<1x2xf32, #tpu.memory_space<smem>>
    %add3A_20 = arith.addf %reduce_sum3A_16, %get3A_19 : f32
    %gt3A = arith.constant 0.000000e+00 : f32
    %gt3A_21 = arith.cmpf ogt, %add3A_20, %gt3A : f32
    %max3A = arith.constant 1.000000e+00 : f32
    %max3A_22 = arith.maximumf %add3A_20, %max3A : f32
    %div3A = arith.divf %add3A, %max3A_22 : f32
    %jit3A = arith.constant 0.000000e+00 : f32
    %select_n3A = arith.select %gt3A_21, %div3A, %jit3A : f32
    %swap3A = arith.constant 0 : index
    %swap3A_23 = arith.constant 0 : index
    %swap3A_24 = memref.load %arg3[%swap3A, %swap3A_23] : memref<1x1xf32, #tpu.memory_space<smem>>
    memref.store %select_n3A, %arg3[%swap3A, %swap3A_23] : memref<1x1xf32, #tpu.memory_space<smem>>
    return
  }
}

module attributes {stable_mosaic.version = 14 : i64} {
  func.func @_tc_body(%arg0: i32, %arg1: memref<3584x128xf32, #tpu.memory_space<vmem>>, %arg2: memref<3584x128xf32, #tpu.memory_space<vmem>>, %arg3: memref<1x2xf32, #tpu.memory_space<smem>>, %arg4: memref<8x128xf32, #tpu.memory_space<vmem>>, %arg5: memref<8x128xf32, #tpu.memory_space<vmem>>) attributes {dimension_semantics = [#tpu.dimension_semantics<arbitrary>], iteration_bounds = array<i64: 4>, scalar_prefetch = 0 : i64, scratch_operands = 2 : i64, tpu.core_type = #tpu.core_type<tc>, window_params = [{transform_indices = @transform_0, window_bounds = array<i64: 3584, 128>}, {transform_indices = @transform_1, window_bounds = array<i64: 3584, 128>}, {transform_indices = @transform_2, window_bounds = array<i64: 1, 2>}]} {
    %get3A = arith.constant 0 : index
    %get3A_0 = arith.constant 0 : index
    %get3A_1 = vector.load %arg1[%get3A, %get3A_0] : memref<3584x128xf32, #tpu.memory_space<vmem>>, vector<3584x128xf32>
    %get3A_2 = arith.constant 0 : index
    %get3A_3 = arith.constant 0 : index
    %get3A_4 = vector.load %arg2[%get3A_2, %get3A_3] : memref<3584x128xf32, #tpu.memory_space<vmem>>, vector<3584x128xf32>
    %sub3A = arith.subf %get3A_4, %get3A_1 : vector<3584x128xf32>
    %mul3A = arith.mulf %sub3A, %sub3A : vector<3584x128xf32>
    %gt3A = arith.constant 2.500000e-01 : f32
    %gt3A_5 = vector.broadcast %gt3A : f32 to vector<3584x128xf32>
    %gt3A_6 = arith.cmpf ogt, %mul3A, %gt3A_5 : vector<3584x128xf32>
    %jit3A = arith.constant 0.000000e+00 : f32
    %broadcast_in_dim3A = vector.broadcast %jit3A : f32 to vector<3584x128xf32>
    %select_n3A = arith.select %gt3A_6, %mul3A, %broadcast_in_dim3A : vector<3584x128xi1>, vector<3584x128xf32>
    %reshape3A = vector.shape_cast %select_n3A : vector<3584x128xf32> to vector<448x8x128xf32>
    %reduce_sum3A = arith.constant dense<0.000000e+00> : vector<8x128xf32>
    %reduce_sum3A_7 = vector.multi_reduction <add>, %reshape3A, %reduce_sum3A [0] : vector<448x8x128xf32> to vector<8x128xf32>
    %jit3A_8 = arith.constant 1.000000e+00 : f32
    %jit3A_9 = arith.constant 0.000000e+00 : f32
    %broadcast_in_dim3A_10 = vector.broadcast %jit3A_8 : f32 to vector<3584x128xf32>
    %broadcast_in_dim3A_11 = vector.broadcast %jit3A_9 : f32 to vector<3584x128xf32>
    %select_n3A_12 = arith.select %gt3A_6, %broadcast_in_dim3A_10, %broadcast_in_dim3A_11 : vector<3584x128xi1>, vector<3584x128xf32>
    %reshape3A_13 = vector.shape_cast %select_n3A_12 : vector<3584x128xf32> to vector<448x8x128xf32>
    %reduce_sum3A_14 = arith.constant dense<0.000000e+00> : vector<8x128xf32>
    %reduce_sum3A_15 = vector.multi_reduction <add>, %reshape3A_13, %reduce_sum3A_14 [0] : vector<448x8x128xf32> to vector<8x128xf32>
    %eq3A = arith.constant 0 : i32
    %eq3A_16 = arith.cmpi eq, %arg0, %eq3A : i32
    %convert_element_type3A = arith.extui %eq3A_16 : i1 to i32
    %cond3A = arith.constant 0 : i32
    %cond3A_17 = arith.cmpi ne, %convert_element_type3A, %cond3A : i32
    scf.if %cond3A_17 {
      %swap3A = arith.constant 0 : index
      %swap3A_28 = arith.constant 0 : index
      %swap3A_29 = vector.load %arg4[%swap3A, %swap3A_28] : memref<8x128xf32, #tpu.memory_space<vmem>>, vector<8x128xf32>
      tpu.vector_store %arg4[%swap3A, %swap3A_28], %reduce_sum3A_7 {strides = array<i32>} : memref<8x128xf32, #tpu.memory_space<vmem>>, vector<8x128xf32>,
      %swap3A_30 = arith.constant 0 : index
      %swap3A_31 = arith.constant 0 : index
      %swap3A_32 = vector.load %arg5[%swap3A_30, %swap3A_31] : memref<8x128xf32, #tpu.memory_space<vmem>>, vector<8x128xf32>
      tpu.vector_store %arg5[%swap3A_30, %swap3A_31], %reduce_sum3A_15 {strides = array<i32>} : memref<8x128xf32, #tpu.memory_space<vmem>>, vector<8x128xf32>,
    } else {
    }
    %gt3A_18 = arith.constant 0 : i32
    %gt3A_19 = arith.cmpi sgt, %arg0, %gt3A_18 : i32
    %convert_element_type3A_20 = arith.extui %gt3A_19 : i1 to i32
    %cond3A_21 = arith.constant 0 : i32
    %cond3A_22 = arith.cmpi ne, %convert_element_type3A_20, %cond3A_21 : i32
    scf.if %cond3A_22 {
      %get3A_28 = arith.constant 0 : index
      %get3A_29 = arith.constant 0 : index
      %get3A_30 = vector.load %arg4[%get3A_28, %get3A_29] : memref<8x128xf32, #tpu.memory_space<vmem>>, vector<8x128xf32>
      %add3A = arith.addf %get3A_30, %reduce_sum3A_7 : vector<8x128xf32>
      %swap3A = arith.constant 0 : index
      %swap3A_31 = arith.constant 0 : index
      %swap3A_32 = vector.load %arg4[%swap3A, %swap3A_31] : memref<8x128xf32, #tpu.memory_space<vmem>>, vector<8x128xf32>
      tpu.vector_store %arg4[%swap3A, %swap3A_31], %add3A {strides = array<i32>} : memref<8x128xf32, #tpu.memory_space<vmem>>, vector<8x128xf32>,
      %get3A_33 = arith.constant 0 : index
      %get3A_34 = arith.constant 0 : index
      %get3A_35 = vector.load %arg5[%get3A_33, %get3A_34] : memref<8x128xf32, #tpu.memory_space<vmem>>, vector<8x128xf32>
      %add3A_36 = arith.addf %get3A_35, %reduce_sum3A_15 : vector<8x128xf32>
      %swap3A_37 = arith.constant 0 : index
      %swap3A_38 = arith.constant 0 : index
      %swap3A_39 = vector.load %arg5[%swap3A_37, %swap3A_38] : memref<8x128xf32, #tpu.memory_space<vmem>>, vector<8x128xf32>
      tpu.vector_store %arg5[%swap3A_37, %swap3A_38], %add3A_36 {strides = array<i32>} : memref<8x128xf32, #tpu.memory_space<vmem>>, vector<8x128xf32>,
    } else {
    }
    %eq3A_23 = arith.constant 3 : i32
    %eq3A_24 = arith.cmpi eq, %arg0, %eq3A_23 : i32
    %convert_element_type3A_25 = arith.extui %eq3A_24 : i1 to i32
    %cond3A_26 = arith.constant 0 : i32
    %cond3A_27 = arith.cmpi ne, %convert_element_type3A_25, %cond3A_26 : i32
    scf.if %cond3A_27 {
      %get3A_28 = arith.constant 0 : index
      %get3A_29 = arith.constant 0 : index
      %get3A_30 = vector.load %arg4[%get3A_28, %get3A_29] : memref<8x128xf32, #tpu.memory_space<vmem>>, vector<8x128xf32>
      %reduce_sum3A_31 = vector.shape_cast %get3A_30 : vector<8x128xf32> to vector<1x8x128xf32>
      %reduce_sum3A_32 = arith.constant dense<0.000000e+00> : vector<1xf32>
      %reduce_sum3A_33 = vector.multi_reduction <add>, %reduce_sum3A_31, %reduce_sum3A_32 [1, 2] : vector<1x8x128xf32> to vector<1xf32>
      %reduce_sum3A_34 = vector.shape_cast %reduce_sum3A_33 : vector<1xf32> to vector<1x1x1xf32>
      %reduce_sum3A_35 = vector.extract %reduce_sum3A_34[0, 0, 0] : f32 from vector<1x1x1xf32>
      %swap3A = arith.constant 0 : index
      %swap3A_36 = arith.constant 0 : index
      %swap3A_37 = memref.load %arg3[%swap3A, %swap3A_36] : memref<1x2xf32, #tpu.memory_space<smem>>
      memref.store %reduce_sum3A_35, %arg3[%swap3A, %swap3A_36] : memref<1x2xf32, #tpu.memory_space<smem>>
      %get3A_38 = arith.constant 0 : index
      %get3A_39 = arith.constant 0 : index
      %get3A_40 = vector.load %arg5[%get3A_38, %get3A_39] : memref<8x128xf32, #tpu.memory_space<vmem>>, vector<8x128xf32>
      %reduce_sum3A_41 = vector.shape_cast %get3A_40 : vector<8x128xf32> to vector<1x8x128xf32>
      %reduce_sum3A_42 = arith.constant dense<0.000000e+00> : vector<1xf32>
      %reduce_sum3A_43 = vector.multi_reduction <add>, %reduce_sum3A_41, %reduce_sum3A_42 [1, 2] : vector<1x8x128xf32> to vector<1xf32>
      %reduce_sum3A_44 = vector.shape_cast %reduce_sum3A_43 : vector<1xf32> to vector<1x1x1xf32>
      %reduce_sum3A_45 = vector.extract %reduce_sum3A_44[0, 0, 0] : f32 from vector<1x1x1xf32>
      %swap3A_46 = arith.constant 0 : index
      %swap3A_47 = arith.constant 1 : index
      %swap3A_48 = memref.load %arg3[%swap3A_46, %swap3A_47] : memref<1x2xf32, #tpu.memory_space<smem>>
      memref.store %reduce_sum3A_45, %arg3[%swap3A_46, %swap3A_47] : memref<1x2xf32, #tpu.memory_space<smem>>
    } else {
    }
    return
  }
  func.func @transform_0(%arg0: i32) -> (i32, i32) {
    %c0_i32 = arith.constant 0 : i32
    %c0_i32_0 = arith.constant 0 : i32
    return %arg0, %c0_i32 : i32, i32
  }
  func.func @transform_1(%arg0: i32) -> (i32, i32) {
    %c0_i32 = arith.constant 0 : i32
    %c0_i32_0 = arith.constant 0 : i32
    return %arg0, %c0_i32 : i32, i32
  }
  func.func @transform_2(%arg0: i32) -> (i32, i32) {
    %c0_i32 = arith.constant 0 : i32
    %c0_i32_0 = arith.constant 0 : i32
    %c0_i32_1 = arith.constant 0 : i32
    return %c0_i32, %c0_i32_0 : i32, i32
  }
}

</mosaic_0001>

<sc_bundles>
// kernel: kernel.5.cloned.1.call-start
scs
__scs_entry_jumppad:
0x0: {  	(pc) =	sbr.rel $0x88, $3  }
0x1: {  	(tag) =	ssettag $0x0;
	lr =	simm.s32 $0x1  }
0x2: {  	[smem:$0x3F9F] =	sst lr;
	_ =	strace $0xD0000000  }
0x3: {  	_ = 	snop  }
0x4: {  	_ = 	snop  }
0x5: {  	_ = 	snop  }
0x6: {  	_ = 	snop  }
0x7: {  	_ = 	snop  }
__scs_overlays_trampoline_lowered:
0x8: {  	[smem:$0x3FAE] =	sst s0  }
0x9: {  	[smem:$0x3FAF] =	sst s1  }
0xa: {  	[smem:$0x3FB0] =	sst s2  }
0xb: {  	[smem:$0x3FB1] =	sst s3  }
0xc: {  	[smem:$0x3FB2] =	sst s4  }
0xd: {  	[smem:$0x3FB3] =	sst s5  }
0xe: {  	[smem:$0x3FB4] =	sst s6  }
0xf: {  	[smem:$0x3FB5] =	sst s7  }
0x10: {  	[smem:$0x3FB6] =	sst s8  }
0x11: {  	[smem:$0x3FB7] =	sst s9;
	s0 =	simm.s32 @!p0 $0x0  }
0x12: {  	s1 =	sld [smem:$0x3F9D];
	s0 =	simm.s32 @p0 $0x1  }
0x13: {  	[smem:$0x3FB8] =	sst s0;
	s0 =	simm.s32 @!p1 $0x0  }
0x14: {  	s2 =	sld [smem:$0x3F9C];
	s0 =	simm.s32 @p1 $0x1  }
0x15: {  	[smem:$0x3FB9] =	sst s0;
	s0 =	simm.s32 @!p2 $0x0  }
0x16: {  	s3 =	sld [smem:$0x3FDB];
	s0 =	simm.s32 @p2 $0x1  }
0x17: {  	s4 =	simm.s32 $0x1BF5;
	[smem:$0x3FBB] =	sst s0  }
0x18: {  	s0 =	sld [smem:$0x3F9E];
	_ =	swait.ge [sflag:s4], $0x0  }
0x19: {  	s7 =	sld [smem:$0x3F9F]  }
0x1a: {  	s8 =	sadd.s32 $0xFFFFE003, lr  }
0x1b: {  	s9 =	sadd.s32 $0xFFFFFEF7, lr;
	s5 =	simm.s32 $0xFFFFFFFF;
	p2 =	slt.u32 s8, $0xFFFFF086  }
0x1c: {  	p1 =	slt.u32 s9, $0xF7A;
	s5 =	simm.s32 @!p2 $0x0  }
0x1d: {  	s5 =	simm.s32 @p1 $0x1;
	p0 =	seq.s32 s7, s2  }
0x1e: {  	s7 =	smul.u32 @!p0 $0xF7A, s2;
	p2 =	seq.s32 @!p0 s5, $0x0  }
0x1f: {  	s9 =	smul.u32 $0xF7A, s1;
	s8 =	simm.s32 @!p0 $0x1BF5;
	p2 =	por !p2, p0  }
0x20: {  	[sflag:s8] =	ssyncset.s32 @!p0 $0xFFFFF086;
	s6 =	sadd.s32 @!p0 s3, s7;
	s7 =	simm.s32 @!p0 $0x108  }
0x21: {  	s3 =	sadd.s32 s3, s9;
	s6 =	sadd.s32 @!p0 $0x88, s6;
	s7 =	simm.s32 @p2 $0x1082  }
0x22: {  	[simem:s7], [sflag:s8] =	dma.local @!p0 [hbm:s6], $0xF7A  }
0x23: {  	s9 =	sor.u32 $0xD0000000, s2;
	s6 =	simm.s32 $0x108;
	_ =	swait.ge @!p0 [sflag:s8], $0x0  }
0x24: {  	s3 =	sadd.s32 $0x88, s3;
	s6 =	simm.s32 @!p1 $0x1082;
	[sflag:s4] =	ssyncset.s32 $0xFFFFF086  }
0x25: {  	[simem:s6], [sflag:s4] =	dma.local [hbm:s3], $0xF7A  }
0x26: {  	[smem:$0x3F9F] =	sst s1;
	(tag) =	ssettag s2;
	_ =	strace s9  }
0x27: {  	s1 =	sld [smem:$0x3FAF]  }
0x28: {  	s2 =	sld [smem:$0x3FB0]  }
0x29: {  	s4 =	sld [smem:$0x3FB2]  }
0x2a: {  	p0 =	seq.s32 s5, $0x0;
	s5 =	sld [smem:$0x3FB3]  }
0x2b: {  	s6 =	sld [smem:$0x3FB4]  }
0x2c: {  	s7 =	sld [smem:$0x3FB5]  }
0x2d: {  	s3 =	simm.s32 $0x108;
	s8 =	sld [smem:$0x3FB6]  }
0x2e: {  	s3 =	simm.s32 @!p0 $0x1082;
	s9 =	sld [smem:$0x3FB7]  }
0x2f: {  	lr =	sadd.s32 s0, s3;
	s0 =	sld [smem:$0x3FAE]  }
0x30: {  	s3 =	sld [smem:$0x3FB1]  }
0x31: {  	[smem:$0x3FBA] =	sst s10  }
0x32: {  	s10 =	sld [smem:$0x3FB8];
	_ =	sdelay $0x3  }
0x33: {  	p0 =	seq.s32 s10, $0x1;
	s10 =	sld [smem:$0x3FBA];
	_ =	sdelay $0x3  }
0x34: {  	[smem:$0x3FBA] =	sst s10  }
0x35: {  	s10 =	sld [smem:$0x3FB9];
	_ =	sdelay $0x3  }
0x36: {  	p1 =	seq.s32 s10, $0x1;
	s10 =	sld [smem:$0x3FBA];
	_ =	sdelay $0x3  }
0x37: {  	[smem:$0x3FBA] =	sst s10  }
0x38: {  	s10 =	sld [smem:$0x3FBB]  }
0x39: {  	_ = 	snop;
	(pc) =	sbr.ind lr, $3  }
0x3a: {  	_ = 	snop  }
0x3b: {  	_ = 	snop  }
0x3c: {  	p2 =	seq.s32 s10, $0x1;
	s10 =	sld [smem:$0x3FBA]  }
0x3d: {  	_ =	shalt  }
0x3e: {  	_ =	shalt  }
0x3f: {  	_ =	shalt  }
0x40: {  	_ =	shalt  }
0x41: {  	_ =	shalt  }
0x42: {  	_ =	shalt  }
0x43: {  	_ =	shalt  }
0x44: {  	_ =	shalt  }
0x45: {  	_ =	shalt  }
0x46: {  	_ =	shalt  }
0x47: {  	_ =	shalt  }
0x48: {  	_ =	shalt  }
0x49: {  	_ =	shalt  }
0x4a: {  	_ =	shalt  }
0x4b: {  	_ =	shalt  }
0x4c: {  	_ =	shalt  }
0x4d: {  	_ =	shalt  }
0x4e: {  	_ =	shalt  }
0x4f: {  	_ =	shalt  }
0x50: {  	_ =	shalt  }
0x51: {  	_ =	shalt  }
0x52: {  	_ =	shalt  }
0x53: {  	_ =	shalt  }
0x54: {  	_ =	shalt  }
0x55: {  	_ =	shalt  }
0x56: {  	_ =	shalt  }
0x57: {  	_ =	shalt  }
0x58: {  	_ =	shalt  }
0x59: {  	_ =	shalt  }
0x5a: {  	_ =	shalt  }
0x5b: {  	_ =	shalt  }
0x5c: {  	_ =	shalt  }
0x5d: {  	_ =	shalt  }
0x5e: {  	_ =	shalt  }
0x5f: {  	_ =	shalt  }
0x60: {  	_ =	shalt  }
0x61: {  	_ =	shalt  }
0x62: {  	_ =	shalt  }
0x63: {  	_ =	shalt  }
0x64: {  	_ =	shalt  }
0x65: {  	_ =	shalt  }
0x66: {  	_ =	shalt  }
0x67: {  	_ =	shalt  }
0x68: {  	_ =	shalt  }
0x69: {  	_ =	shalt  }
0x6a: {  	_ =	shalt  }
0x6b: {  	_ =	shalt  }
0x6c: {  	_ =	shalt  }
0x6d: {  	_ =	shalt  }
0x6e: {  	_ =	shalt  }
0x6f: {  	_ =	shalt  }
0x70: {  	_ =	shalt  }
0x71: {  	_ =	shalt  }
0x72: {  	_ =	shalt  }
0x73: {  	_ =	shalt  }
0x74: {  	_ =	shalt  }
0x75: {  	_ =	shalt  }
0x76: {  	_ =	shalt  }
0x77: {  	_ =	shalt  }
0x78: {  	_ =	shalt  }
0x79: {  	_ =	shalt  }
0x7a: {  	_ =	shalt  }
0x7b: {  	_ =	shalt  }
0x7c: {  	_ =	shalt  }
0x7d: {  	_ =	shalt  }
0x7e: {  	_ =	shalt  }
0x7f: {  	_ =	shalt  }
0x80: {  	_ =	shalt  }
0x81: {  	_ =	shalt  }
0x82: {  	_ =	shalt  }
0x83: {  	_ =	shalt  }
0x84: {  	_ =	shalt  }
0x85: {  	_ =	shalt  }
0x86: {  	_ =	shalt  }
0x87: {  	_ =	shalt  }
.Lfunc_end0:
.L_simem_size_0:
called_computation_lowered:
.L_overlay_start_0:
0x88: {  	s2 =	sld [smem:$0x3FD9]  }
0x89: {  	s3 =	sld [smem:$0x3FFE];
	_ =	sdelay $0x1  }
0x8a: {  	s1 =	srdreg.scid  }
0x8b: {  	s0 =	sand.u32 $0x1, s1  }
0x8c: {  	s17 =	sshll.u32 s0, $0xA;
	s2 =	sadd.s32 s3, s2  }
0x8d: {  	s2 =	sadd.s32 s2, s17  }
0x8e: {  	[smem:$0x3FC6] =	sst s2  }
0x8f: {  	_ = 	snop  }
0x90: {  	s2 =	sld [smem:$0x3FC9]  }
0x91: {  	s18 =	sld [smem:$0x3FC8];
	(tm) =	ssettm $0x1  }
0x92: {  	s4 =	sld [smem:$0x3FFB];
	_ =	sdelay $0x3  }
0x93: {  	_ =	strace s4  }
0x94: {  	s4 =	sld [smem:$0x3FFC];
	_ =	sdelay $0x3  }
0x95: {  	_ =	strace s4  }
0x96: {  	s4 =	sld [smem:$0x3FFD];
	_ =	sdelay $0x3  }
0x97: {  	_ =	strace s4  }
0x98: {  	_ =	strace $0x8FFFFFFF  }
0x99: {  	s19 =	sld [smem:$0x3FDB];
	_ =	sdelay $0x1  }
0x9a: {  	s5 =	simm.s32 $_scs_section_size  }
0x9b: {  	s6 =	simm.s32 $_size__tile_overlayer_lowered;
	s7 =	simm.s32 $_tile_overlayer_lowered  }
0x9c: {  	s22 =	simm.s32 $0x1BFF;
	s21 =	sshll.u32 s7, $0x1;
	s4 =	sadd.s32 s5, s19  }
0x9d: {  	s8 =	simm.s32 $0x0;
	s20 =	sshll.u32 s6, $0x1;
	s6 =	sadd.s32 s21, s4  }
0x9e: {  	[timem:s8], [sflag:s22] =	dma.local [hbm:s6], s20  }
0x9f: {  	_ =	swait.ge [sflag:s22], s20  }
0xa0: {  	s5 =	ssub.s32 $0x0, s20;
	[sflag:s22] =	ssyncset.done $0x0  }
0xa1: {  	[sflag:s22] =	ssyncadd.s32 s5;
	_ =	sdelay $0x1  }
0xa2: {  	s23 =	simm.s32 $0x1B8B  }
0xa3: {  	_ =	swait.ge [sflag:s23], $0x1  }
0xa4: {  	[sflag:s23] =	ssyncset.done $0x0  }
0xa5: {  	s25 =	simm.s32 $0x1B8E;
	s24 =	sld [smem:$0x3FFE];
	[sflag:s23] =	ssyncadd.s32 $0xFFFFFFFF  }
0xa6: {  	s26 =	simm.s32 $execute0_lowered;
	[smem:$0x3FD2] =	sst s25  }
0xa7: {  	s6 =	sshll.u32 s26, $0x1;
	_ =	strace $0x80000046;
	[dreg:$0x1] =	wrdreg $0xFFFFFFFF  }
0xa8: {  	s28 =	simm.s32 $_size_execute0_lowered;
	s4 =	sadd.s32 s4, s6;
	[dreg:$0x0] =	wrdreg $0x0  }
0xa9: {  	s6 =	sshll.u32 s28, $0x1;
	[dreg:$0x2] =	wrdreg s4  }
0xaa: {  	[dreg:$0x3] =	wrdreg s6  }
0xab: {  	[dreg:$0x4] =	wrdreg $0xC0  }
0xac: {  	_ =	task [dreg:s8], $0x5FFFF  }
0xad: {  	[dreg:$0x1] =	wrdreg $0xFFFFFFFF  }
0xae: {  	[dreg:$0x0] =	wrdreg $0x60  }
0xaf: {  	[dreg:$0x2] =	wrdreg s2  }
0xb0: {  	[dreg:$0x3] =	wrdreg s18  }
0xb1: {  	[dreg:$0x4] =	wrdreg s24  }
0xb2: {  	[dreg:$0x5] =	wrdreg $0x9  }
0xb3: {  	_ =	task.clear_ibuf [dreg:s8], $0x6FFFF;
	_ =	strace $0x90000046  }
0xb4: {  	s29 =	simm.s32 $0x9;
	_ =	strace $0x80000048  }
0xb5: {  	_ =	swait.ge [sflag:s29], $0x1  }
0xb6: {  	[sflag:s29] =	ssyncadd.s32 $0xFFFFFFFF  }
0xb7: {  	_ =	strace $0x90000048  }
0xb8: {  	_ =	sfence  }
0xb9: {  	s30 =	sld [smem:$0x0];
	_ =	sdelay $0x2  }
0xba: {  	s31 =	sshll.u32 s1, $0xD;
	s1 =	sshrl.u32 s1, $0x2  }
0xbb: {  	s3 =	sand.u32 $0x4000, s31;
	s1 =	sadd.s32 s1, s30  }
0xbc: {  	s0 =	sor.u32 s3, s0;
	s1 =	sshll.u32 s1, $0x11  }
0xbd: {  	s0 =	sor.u32 s1, s0  }
0xbe: {  	s0 =	sadd.s32 $0x8F2B, s0  }
0xbf: {  	[sflag:s0] =	ssyncadd.remote.s32 $0x1  }
0xc0: {  	_ =	sfence.sel $0xFFFF  }
0xc1: {  	[dreg:$0x0] =	wrdreg $0xFFFFFFFF;
	(pc) =	sbr.abs _section_cstart, $3  }
0xc2: {  	[dreg:$0x1] =	wrdreg $0xFFFFFFFF  }
0xc3: {  	_ =	task.clear_ibuf [dreg:s8], $0x2FFFF;
	_ =	strace $0x9FFFFFFF  }
0xc4: {  	(tm) =	ssettm $0x7FFFFFFF  }
0xc5: {  	_ =	shalt  }
tec
execute0_lowered:
.L_overlay_start_1:
0x0: {  	(tag) =	ssettag $0x1  }
0x1: {  	s5 =	rddreg [dreg:$0x0]  }
0x2: {  	s6 =	rddreg [dreg:$0x1]  }
0x3: {  	s3 =	rddreg [dreg:$0x2]  }
0x4: {  	s0 =	rddreg [dreg:$0x3];
	s2 =	simm.s32 $0x0;
	s4 =	srdreg.scid  }
0x5: {  	s1 =	stileid.u32;
	s11 =	simm.s32 $0x1000;
	s12 =	simm.s32 $0x3000  }
0x6: {  	s13 =	simm.s32 $0x1;
	s14 =	simm.s32 $0x2;
	s15 =	simm.s32 $0x4000  }
0x7: {  	s16 =	simm.s32 $0x3;
	s17 =	simm.s32 $0x4080;
	s18 =	simm.s32 $0x0  }
0x8: {  	[smem:$0x7FF] =	sst s2;
	s4 =	sand.u32 $0x1, s4;
	s7 =	sshll.u32 s1, $0x1  }
0x9: {  	_ =	strace $0x80000047;
	s7 =	sor.u32 s4, s7;
	s4 =	ssub.s32 $0x2, s4  }
0xa: {  	s8 =	sshll.u32 s7, $0x4;
	s7 =	sshll.u32 s7, $0xA;
	s31 =	sshrl.u32 s4, $0x1  }
0xb: {  	s8 =	sadd.s32 s8, s3;
	s9 =	sor.u32 $0x38000, s7;
	s10 =	ssub.s32 s4, s31  }
0xc: {  	s7 =	sor.u32 $0x38200, s7;
	s3 =	sadd.s32 s5, s9;
	s4 =	sadd.s32 s6, s9  }
0xd: {  	s5 =	sadd.s32 s5, s7;
	s6 =	sadd.s32 s6, s7;
	s7 =	sadd.s32 $0x1000, s8  }
0xe: {  	v0 =	vimm.f32 $0.0e+00;
	s8 =	sadd.s32 $0x1200, s8;
	s9 =	smax.u32 s10, $0x1;
	s10 =	simm.s32 $0x2000  }
.LBB2_1:
0xf: {  	[tilespmem:s2], [sflag:$0x1] =	stream.linear.gather [hbm4b:s3+s2], $0x1000, $0x38;
	[tilespmem:$0x4100] =	vst v63  }
0x10: {  	_ = 	snop  }
0x11: {  	[tilespmem:s10], [sflag:$0x1] =	stream.linear.gather [hbm4b:s4+s2], $0x1000, $0x38;
	[tilespmem:$0x4100] =	vst v63  }
0x12: {  	_ = 	snop  }
0x13: {  	[tilespmem:s11], [sflag:$0x2] =	stream.linear.gather [hbm4b:s5+s2], $0x1000, $0x38;
	[tilespmem:$0x4100] =	vst v63  }
0x14: {  	_ = 	snop  }
0x15: {  	[tilespmem:s12], [sflag:$0x2] =	stream.linear.gather [hbm4b:s6+s2], $0x1000, $0x38;
	[tilespmem:$0x4100] =	vst v63  }
0x16: {  	_ =	swait.ge [sflag:s13], $0x1000  }
0x17: {  	[sflag:s13] =	ssyncset.done $0x0  }
0x18: {  	[sflag:s13] =	ssyncadd.s32 $0xFFFFF000  }
0x19: {  	_ =	swait.ge [sflag:s13], $0x1000  }
0x1a: {  	[sflag:s13] =	ssyncset.done $0x0  }
0x1b: {  	s19 =	simm.s32 $0x0;
	[sflag:s13] =	ssyncadd.s32 $0xFFFFF000  }
0x1c: {  	v1 =	vld [tilespmem:s19+$0x2060]  }
0x1d: {  	v2 =	vld [tilespmem:s19+$0x2050]  }
0x1e: {  	v3 =	vld [tilespmem:s19+$0x2070]  }
0x1f: {  	v4 =	vld [tilespmem:s19+$0x60]  }
0x20: {  	v5 =	vld [tilespmem:s19+$0x50]  }
0x21: {  	v6 =	vld [tilespmem:s19+$0x2020]  }
0x22: {  	v7 =	vld [tilespmem:s19+$0x10]  }
0x23: {  	v8 =	vld [tilespmem:s19+$0x2040]  }
0x24: {  	v9 =	vld [tilespmem:s19+$0x70]  }
0x25: {  	v10 =	vld [tilespmem:s19+$0x40]  }
0x26: {  	v11 =	vld [tilespmem:s19+$0x2010]  }
0x27: {  	v12 =	vld [tilespmem:s19+$0x0]  }
0x28: {  	v13 =	vld [tilespmem:s19+$0x30]  }
0x29: {  	v14 =	vld [tilespmem:s19+$0x20];
	v2 =	vsub.f32 v2, v5  }
0x2a: {  	v1 =	vsub.f32 v1, v4;
	v4 =	vld [tilespmem:s19+$0x2000]  }
0x2b: {  	v5 =	vld [tilespmem:s19+$0x2030];
	v2 =	vmul.f32 v2, v2  }
0x2c: {  	v15 =	vmul.f32 v1, v1;
	v1 =	vsub.f32 v3, v9;
	v3 =	vsub.f32 v11, v7  }
0x2d: {  	v7 =	vsub.f32 v8, v10  }
0x2e: {  	s20 =	simm.s32 $0x80;
	v6 =	vsub.f32 v6, v14;
	vm2 =	vgt.f32 v2, $2.500000000e-01;
	v3 =	vmul.f32 v3, v3  }
0x2f: {  	v18 =	vld [tilespmem:s20+$0x10];
	v1 =	vmul.f32 v1, v1;
	v7 =	vmul.f32 v7, v7;
	v4 =	vsub.f32 v4, v12  }
0x30: {  	v22 =	vld [tilespmem:s20+$0x40];
	v5 =	vsub.f32 v5, v13;
	v9 =	vnsel vm2, $0x0, v2;
	v16 =	vsel vm2, $0x3F800000, v0  }
0x31: {  	v23 =	vld [tilespmem:s20+$0x2010];
	vm3 =	vgt.f32 v3, $2.500000000e-01;
	vm4 =	vgt.f32 v7, $2.500000000e-01;
	vm1 =	vgt.f32 v1, $2.500000000e-01  }
0x32: {  	v12 =	vld [tilespmem:s20+$0x50];
	v2 =	vmul.f32 v4, v4;
	v8 =	vsel vm3, $0x3F800000, v0;
	v5 =	vmul.f32 v5, v5  }
0x33: {  	v4 =	vld [tilespmem:s20+$0x2050];
	v10 =	vnsel vm4, $0x0, v7;
	v3 =	vnsel vm3, $0x0, v3;
	v1 =	vnsel vm1, $0x0, v1  }
0x34: {  	v14 =	vld [tilespmem:s20+$0x60];
	v7 =	vadd.f32 v8, v0;
	v3 =	vadd.f32 v3, v0;
	vm5 =	vgt.f32 v2, $2.500000000e-01  }
0x35: {  	v11 =	vld [tilespmem:s20+$0x2060];
	vm3 =	vgt.f32 v5, $2.500000000e-01;
	v2 =	vnsel vm5, $0x0, v2;
	v17 =	vsel vm5, $0x3F800000, v0  }
0x36: {  	v13 =	vld [tilespmem:s20+$0x2070];
	v7 =	vadd.f32 v16, v7;
	v5 =	vnsel vm3, $0x0, v5;
	v17 =	vadd.f32 v17, v0  }
0x37: {  	v20 =	vsel vm4, $0x3F800000, v0;
	v16 =	vld [tilespmem:s20+$0x70];
	v21 =	vadd.f32 v2, v0;
	v5 =	vadd.f32 v5, v0  }
0x38: {  	v8 =	vld [tilespmem:s20+$0x2020];
	v19 =	vsel vm3, $0x3F800000, v0;
	v4 =	vsub.f32 v4, v12;
	v2 =	vadd.f32 v20, v17  }
0x39: {  	v12 =	vld [tilespmem:s20+$0x30];
	v20 =	vmul.f32 v6, v6;
	v6 =	vadd.f32 v9, v3;
	v3 =	vadd.f32 v10, v21  }
0x3a: {  	v17 =	vld [tilespmem:s20+$0x2040];
	v21 =	vsub.f32 v11, v14;
	v14 =	vadd.f32 v19, v0;
	v10 =	vmul.f32 v4, v4  }
0x3b: {  	v11 =	vld [tilespmem:s20+$0x0];
	v4 =	vadd.f32 v1, v5;
	v1 =	vsel vm1, $0x3F800000, v0;
	vm2 =	vgt.f32 v20, $2.500000000e-01  }
0x3c: {  	v16 =	vsub.f32 v13, v16;
	v5 =	vadd.f32 v1, v14;
	v14 =	vld [tilespmem:s20+$0x20];
	v13 =	vnsel vm2, $0x0, v20  }
0x3d: {  	vm0 =	vgt.f32 v15, $2.500000000e-01;
	v19 =	vadd.f32 v13, v0;
	v13 =	vld [tilespmem:s20+$0x2000]  }
0x3e: {  	v9 =	vsel vm0, $0x3F800000, v0;
	v1 =	vmul.f32 v21, v21;
	v21 =	vnsel vm0, $0x0, v15;
	v15 =	vld [tilespmem:s20+$0x2030]  }
0x3f: {  	vm1 =	vgt.f32 v10, $2.500000000e-01;
	v17 =	vsub.f32 v17, v22;
	v22 =	vsel vm2, $0x3F800000, v0  }
0x40: {  	s19 =	simm.s32 $0x400;
	v20 =	vsub.f32 v23, v18;
	vm0 =	vgt.f32 v1, $2.500000000e-01;
	v18 =	vadd.f32 v22, v0  }
.LBB2_2:
0x41: {  	s20 =	sshra.s32 s19, $0x2;
	p0 =	sne.s32 s19, $0x3E00;
	s19 =	sadd.s32 $0x200, s19;
	v14 =	vsub.f32 v8, v14;
	v16 =	vmul.f32 v16, v16;
	v19 =	vadd.f32 v21, v19  }
0x42: {  	v21 =	vld [tilespmem:s20+$0x2060];
	v8 =	vsub.f32 v13, v11;
	v11 =	vmul.f32 v20, v20;
	v13 =	vmul.f32 v17, v17  }
0x43: {  	v10 =	vnsel vm1, $0x0, v10;
	v18 =	vadd.f32 v9, v18;
	v17 =	vld [tilespmem:s20+$0x2050];
	v12 =	vsub.f32 v15, v12  }
0x44: {  	v15 =	vld [tilespmem:s20+$0x2070];
	v9 =	vmul.f32 v8, v8;
	vm3 =	vgt.f32 v11, $2.500000000e-01;
	vm4 =	vgt.f32 v13, $2.500000000e-01  }
0x45: {  	v20 =	vld [tilespmem:s20+$0x60];
	v8 =	vsel vm3, $0x3F800000, v0;
	v12 =	vmul.f32 v12, v12;
	v13 =	vnsel vm4, $0x0, v13  }
0x46: {  	vm2 =	vgt.f32 v16, $2.500000000e-01;
	v22 =	vld [tilespmem:s20+$0x50];
	vm5 =	vgt.f32 v9, $2.500000000e-01;
	v7 =	vadd.f32 v8, v7  }
0x47: {  	v23 =	vsel vm1, $0x3F800000, v0;
	v11 =	vnsel vm3, $0x0, v11;
	v8 =	vld [tilespmem:s20+$0x2020];
	vm3 =	vgt.f32 v12, $2.500000000e-01  }
0x48: {  	v16 =	vnsel vm2, $0x0, v16;
	v9 =	vnsel vm5, $0x0, v9;
	v25 =	vsel vm5, $0x3F800000, v0;
	v24 =	vld [tilespmem:s20+$0x10]  }
0x49: {  	v6 =	vadd.f32 v11, v6;
	v2 =	vadd.f32 v25, v2;
	v25 =	vsel vm3, $0x3F800000, v0;
	v26 =	vld [tilespmem:s20+$0x2040]  }
0x4a: {  	v11 =	vsel vm4, $0x3F800000, v0;
	v7 =	vadd.f32 v23, v7;
	v27 =	vld [tilespmem:s20+$0x70]  }
0x4b: {  	v3 =	vadd.f32 v9, v3;
	v9 =	vnsel vm3, $0x0, v12;
	v2 =	vadd.f32 v11, v2;
	v23 =	vld [tilespmem:s20+$0x40]  }
0x4c: {  	v6 =	vadd.f32 v10, v6;
	v17 =	vsub.f32 v17, v22;
	v22 =	vmul.f32 v14, v14;
	v28 =	vld [tilespmem:s20+$0x2010]  }
0x4d: {  	v4 =	vadd.f32 v9, v4;
	v9 =	vsel vm0, $0x3F800000, v0;
	v3 =	vadd.f32 v13, v3;
	v11 =	vld [tilespmem:s20+$0x0]  }
0x4e: {  	v5 =	vadd.f32 v25, v5;
	v10 =	vmul.f32 v17, v17;
	v17 =	vsub.f32 v21, v20;
	v12 =	vld [tilespmem:s20+$0x30]  }
.Ltmp0:
0x4f: {  	v4 =	vadd.f32 v16, v4;
	vm3 =	vgt.f32 v22, $2.500000000e-01;
	v20 =	vsel vm2, $0x3F800000, v0;
	v14 =	vld [tilespmem:s20+$0x20];
	(pc) =	sbr.rel @p0 .LBB2_2-.Ltmp0, $4  }
0x50: {  	v21 =	vnsel vm3, $0x0, v22;
	v5 =	vadd.f32 v20, v5;
	v16 =	vsub.f32 v15, v27;
	v13 =	vld [tilespmem:s20+$0x2000]  }
0x51: {  	vm1 =	vgt.f32 v10, $2.500000000e-01;
	v22 =	vmul.f32 v17, v17;
	v19 =	vadd.f32 v21, v19;
	v15 =	vld [tilespmem:s20+$0x2030]  }
0x52: {  	v21 =	vnsel vm0, $0x0, v1;
	v17 =	vsub.f32 v26, v23;
	v23 =	vsel vm3, $0x3F800000, v0  }
0x53: {  	v20 =	vsub.f32 v28, v24;
	vm0 =	vgt.f32 v22, $2.500000000e-01;
	v18 =	vadd.f32 v23, v18;
	v1 =	vmovc v22  }
0x54: {  	_ =	swait.ge [sflag:s14], $0x1000  }
0x55: {  	[sflag:s14] =	ssyncset.done $0x0  }
0x56: {  	[sflag:s14] =	ssyncadd.s32 $0xFFFFF000  }
0x57: {  	_ =	swait.ge [sflag:s14], $0x1000  }
0x58: {  	[sflag:s14] =	ssyncset.done $0x0  }
0x59: {  	v8 =	vsub.f32 v8, v14;
	v14 =	vmul.f32 v16, v16;
	s19 =	simm.s32 $0x0;
	[sflag:s14] =	ssyncadd.s32 $0xFFFFF000  }
0x5a: {  	v16 =	vadd.f32 v21, v19;
	v11 =	vsub.f32 v13, v11;
	v13 =	vmul.f32 v20, v20;
	v19 =	vld [tilespmem:s19+$0x3060]  }
0x5b: {  	v17 =	vmul.f32 v17, v17;
	v10 =	vnsel vm1, $0x0, v10;
	v12 =	vsub.f32 v15, v12;
	v15 =	vld [tilespmem:s19+$0x3050]  }
0x5c: {  	v23 =	vsel vm1, $0x3F800000, v0;
	v9 =	vadd.f32 v9, v18;
	vm2 =	vgt.f32 v13, $2.500000000e-01;
	v18 =	vld [tilespmem:s19+$0x3070]  }
0x5d: {  	vm3 =	vgt.f32 v17, $2.500000000e-01;
	vm5 =	vgt.f32 v14, $2.500000000e-01;
	v20 =	vsel vm2, $0x3F800000, v0;
	v21 =	vld [tilespmem:s19+$0x1060]  }
0x5e: {  	v8 =	vmul.f32 v8, v8;
	v11 =	vmul.f32 v11, v11;
	v7 =	vadd.f32 v20, v7;
	v20 =	vld [tilespmem:s19+$0x1050]  }
0x5f: {  	v17 =	vnsel vm3, $0x0, v17;
	v14 =	vnsel vm5, $0x0, v14;
	v12 =	vmul.f32 v12, v12;
	v22 =	vld [tilespmem:s19+$0x3020]  }
0x60: {  	v13 =	vnsel vm2, $0x0, v13;
	vm1 =	vgt.f32 v8, $2.500000000e-01;
	vm4 =	vgt.f32 v11, $2.500000000e-01;
	v25 =	vld [tilespmem:s19+$0x1010]  }
0x61: {  	v6 =	vadd.f32 v13, v6;
	v8 =	vnsel vm1, $0x0, v8;
	v11 =	vnsel vm4, $0x0, v11;
	v13 =	vld [tilespmem:s19+$0x3040]  }
0x62: {  	vm2 =	vgt.f32 v12, $2.500000000e-01;
	v24 =	vsel vm4, $0x3F800000, v0;
	v3 =	vadd.f32 v11, v3;
	v11 =	vld [tilespmem:s19+$0x1070]  }
0x63: {  	v8 =	vadd.f32 v8, v16;
	v7 =	vadd.f32 v23, v7;
	v12 =	vnsel vm2, $0x0, v12;
	v23 =	vld [tilespmem:s19+$0x1040]  }
0x64: {  	v60 =	vsel vm2, $0x3F800000, v0;
	v6 =	vadd.f32 v10, v6;
	v10 =	vld [tilespmem:s19+$0x3010];
	v4 =	vadd.f32 v12, v4  }
0x65: {  	v59 =	vsel vm3, $0x3F800000, v0;
	v2 =	vadd.f32 v24, v2;
	v5 =	vadd.f32 v60, v5;
	v12 =	vld [tilespmem:s19+$0x1000]  }
0x66: {  	v3 =	vadd.f32 v17, v3;
	v17 =	vld [tilespmem:s19+$0x1030];
	v4 =	vadd.f32 v14, v4;
	v14 =	vsel vm1, $0x3F800000, v0  }
0x67: {  	v1 =	vnsel vm0, $0x0, v1;
	v2 =	vadd.f32 v59, v2;
	v9 =	vadd.f32 v14, v9;
	v14 =	vld [tilespmem:s19+$0x1020]  }
0x68: {  	v61 =	vsel vm5, $0x3F800000, v0;
	v15 =	vsub.f32 v15, v20;
	v16 =	vsub.f32 v19, v21;
	v19 =	vld [tilespmem:s19+$0x3000]  }
0x69: {  	v5 =	vadd.f32 v61, v5;
	v21 =	vadd.f32 v1, v8;
	v1 =	vld [tilespmem:s19+$0x3030]  }
0x6a: {  	v20 =	vsel vm0, $0x3F800000, v0;
	v10 =	vsub.f32 v10, v25;
	v8 =	vmul.f32 v15, v15  }
0x6b: {  	v62 =	vadd.f32 v20, v9;
	v16 =	vmul.f32 v16, v16;
	v9 =	vsub.f32 v18, v11  }
0x6c: {  	s20 =	simm.s32 $0x80;
	v11 =	vsub.f32 v13, v23;
	v10 =	vmul.f32 v10, v10;
	vm2 =	vgt.f32 v8, $2.500000000e-01  }
0x6d: {  	v27 =	vld [tilespmem:s20+$0x3010];
	vm0 =	vgt.f32 v16, $2.500000000e-01;
	v9 =	vmul.f32 v9, v9;
	v13 =	vsub.f32 v22, v14  }
0x6e: {  	v18 =	vld [tilespmem:s20+$0x3070];
	v11 =	vmul.f32 v11, v11;
	v12 =	vsub.f32 v19, v12;
	v1 =	vsub.f32 v1, v17  }
0x6f: {  	v14 =	vld [tilespmem:s20+$0x3060];
	v15 =	vnsel vm2, $0x0, v8;
	vm3 =	vgt.f32 v10, $2.500000000e-01;
	v20 =	vsel vm2, $0x3F800000, v0  }
0x70: {  	v19 =	vld [tilespmem:s20+$0x1060];
	vm14 =	vgt.f32 v11, $2.500000000e-01;
	v17 =	vsel vm3, $0x3F800000, v0;
	vm1 =	vgt.f32 v9, $2.500000000e-01  }
0x71: {  	v10 =	vnsel vm3, $0x0, v10;
	v8 =	vmul.f32 v12, v12;
	v12 =	vld [tilespmem:s20+$0x3050];
	v7 =	vadd.f32 v17, v7  }
0x72: {  	v1 =	vmul.f32 v1, v1;
	v11 =	vnsel vm14, $0x0, v11;
	v17 =	vld [tilespmem:s20+$0x1050];
	v63 =	vnsel vm1, $0x0, v9  }
0x73: {  	v6 =	vadd.f32 v10, v6;
	vm15 =	vgt.f32 v8, $2.500000000e-01;
	v7 =	vadd.f32 v20, v7;
	v20 =	vld [tilespmem:s20+$0x1070]  }
0x74: {  	v9 =	vsel vm14, $0x3F800000, v0;
	v22 =	vnsel vm15, $0x0, v8;
	v23 =	vsel vm15, $0x3F800000, v0;
	v8 =	vld [tilespmem:s20+$0x3020]  }
0x75: {  	v13 =	vmul.f32 v13, v13;
	vm3 =	vgt.f32 v1, $2.500000000e-01;
	v2 =	vadd.f32 v23, v2;
	v23 =	vld [tilespmem:s20+$0x1010]  }
0x76: {  	v6 =	vadd.f32 v15, v6;
	v1 =	vnsel vm3, $0x0, v1;
	v3 =	vadd.f32 v22, v3;
	v22 =	vld [tilespmem:s20+$0x3040]  }
0x77: {  	v26 =	vsel vm3, $0x3F800000, v0;
	v1 =	vadd.f32 v1, v4;
	v10 =	vsub.f32 v12, v17;
	v17 =	vld [tilespmem:s20+$0x1040]  }
0x78: {  	vm2 =	vgt.f32 v13, $2.500000000e-01;
	v15 =	vsub.f32 v14, v19;
	v4 =	vadd.f32 v26, v5;
	v12 =	vld [tilespmem:s20+$0x1030]  }
0x79: {  	v19 =	vsel vm2, $0x3F800000, v0;
	v3 =	vadd.f32 v11, v3;
	v11 =	vld [tilespmem:s20+$0x1000];
	v5 =	vadd.f32 v63, v1  }
0x7a: {  	v1 =	vsel vm1, $0x3F800000, v0;
	v14 =	vsub.f32 v18, v20;
	v18 =	vnsel vm2, $0x0, v13;
	v13 =	vld [tilespmem:s20+$0x1020]  }
0x7b: {  	v10 =	vmul.f32 v10, v10;
	v4 =	vadd.f32 v1, v4;
	v1 =	vmul.f32 v15, v15;
	v15 =	vld [tilespmem:s20+$0x3000]  }
0x7c: {  	v19 =	vadd.f32 v19, v62;
	v18 =	vadd.f32 v18, v21;
	v21 =	vnsel vm0, $0x0, v16;
	v16 =	vld [tilespmem:s20+$0x3030]  }
0x7d: {  	v2 =	vadd.f32 v9, v2;
	v9 =	vsel vm0, $0x3F800000, v0;
	vm1 =	vgt.f32 v10, $2.500000000e-01  }
0x7e: {  	s19 =	simm.s32 $0x400;
	v20 =	vsub.f32 v27, v23;
	vm0 =	vgt.f32 v1, $2.500000000e-01;
	v17 =	vsub.f32 v22, v17  }
.LBB2_4:
0x7f: {  	s20 =	sshra.s32 s19, $0x2;
	p0 =	sne.s32 s19, $0x3E00;
	s19 =	sadd.s32 $0x200, s19;
	v13 =	vsub.f32 v8, v13;
	v14 =	vmul.f32 v14, v14;
	v18 =	vadd.f32 v21, v18  }
0x80: {  	v21 =	vld [tilespmem:s20+$0x3060];
	v8 =	vsub.f32 v15, v11;
	v11 =	vmul.f32 v20, v20;
	v15 =	vmul.f32 v17, v17  }
0x81: {  	v10 =	vnsel vm1, $0x0, v10;
	v19 =	vadd.f32 v9, v19;
	v17 =	vld [tilespmem:s20+$0x3050];
	v12 =	vsub.f32 v16, v12  }
0x82: {  	v16 =	vld [tilespmem:s20+$0x3070];
	v9 =	vmul.f32 v8, v8;
	vm3 =	vgt.f32 v11, $2.500000000e-01;
	vm4 =	vgt.f32 v15, $2.500000000e-01  }
0x83: {  	v20 =	vld [tilespmem:s20+$0x1060];
	v8 =	vsel vm3, $0x3F800000, v0;
	v12 =	vmul.f32 v12, v12;
	v15 =	vnsel vm4, $0x0, v15  }
0x84: {  	vm2 =	vgt.f32 v14, $2.500000000e-01;
	v22 =	vld [tilespmem:s20+$0x1050];
	vm5 =	vgt.f32 v9, $2.500000000e-01;
	v7 =	vadd.f32 v8, v7  }
0x85: {  	v23 =	vsel vm1, $0x3F800000, v0;
	v11 =	vnsel vm3, $0x0, v11;
	v8 =	vld [tilespmem:s20+$0x3020];
	vm3 =	vgt.f32 v12, $2.500000000e-01  }
0x86: {  	v14 =	vnsel vm2, $0x0, v14;
	v9 =	vnsel vm5, $0x0, v9;
	v25 =	vsel vm5, $0x3F800000, v0;
	v24 =	vld [tilespmem:s20+$0x1010]  }
0x87: {  	v6 =	vadd.f32 v11, v6;
	v2 =	vadd.f32 v25, v2;
	v25 =	vsel vm3, $0x3F800000, v0;
	v26 =	vld [tilespmem:s20+$0x3040]  }
0x88: {  	v11 =	vsel vm4, $0x3F800000, v0;
	v7 =	vadd.f32 v23, v7;
	v27 =	vld [tilespmem:s20+$0x1070]  }
0x89: {  	v3 =	vadd.f32 v9, v3;
	v9 =	vnsel vm3, $0x0, v12;
	v2 =	vadd.f32 v11, v2;
	v23 =	vld [tilespmem:s20+$0x1040]  }
0x8a: {  	v6 =	vadd.f32 v10, v6;
	v17 =	vsub.f32 v17, v22;
	v22 =	vmul.f32 v13, v13;
	v28 =	vld [tilespmem:s20+$0x3010]  }
0x8b: {  	v5 =	vadd.f32 v9, v5;
	v9 =	vsel vm0, $0x3F800000, v0;
	v3 =	vadd.f32 v15, v3;
	v11 =	vld [tilespmem:s20+$0x1000]  }
0x8c: {  	v4 =	vadd.f32 v25, v4;
	v10 =	vmul.f32 v17, v17;
	v17 =	vsub.f32 v21, v20;
	v12 =	vld [tilespmem:s20+$0x1030]  }
.Ltmp1:
0x8d: {  	v5 =	vadd.f32 v14, v5;
	vm3 =	vgt.f32 v22, $2.500000000e-01;
	v20 =	vsel vm2, $0x3F800000, v0;
	v13 =	vld [tilespmem:s20+$0x1020];
	(pc) =	sbr.rel @p0 .LBB2_4-.Ltmp1, $4  }
0x8e: {  	v21 =	vnsel vm3, $0x0, v22;
	v4 =	vadd.f32 v20, v4;
	v14 =	vsub.f32 v16, v27;
	v15 =	vld [tilespmem:s20+$0x3000]  }
0x8f: {  	vm1 =	vgt.f32 v10, $2.500000000e-01;
	v22 =	vmul.f32 v17, v17;
	v18 =	vadd.f32 v21, v18;
	v16 =	vld [tilespmem:s20+$0x3030]  }
0x90: {  	v21 =	vnsel vm0, $0x0, v1;
	v17 =	vsub.f32 v26, v23;
	v23 =	vsel vm3, $0x3F800000, v0  }
0x91: {  	v20 =	vsub.f32 v28, v24;
	vm0 =	vgt.f32 v22, $2.500000000e-01;
	v19 =	vadd.f32 v23, v19;
	v1 =	vmovc v22  }
0x92: {  	v8 =	vsub.f32 v8, v13;
	v50 =	vmul.f32 v14, v14;
	v51 =	vadd.f32 v21, v18  }
0x93: {  	v17 =	vmul.f32 v17, v17;
	v10 =	vnsel vm1, $0x0, v10;
	v55 =	vsel vm1, $0x3F800000, v0  }
0x94: {  	v1 =	vnsel vm0, $0x0, v1;
	v11 =	vsub.f32 v15, v11;
	v52 =	vmul.f32 v20, v20  }
0x95: {  	v9 =	vadd.f32 v9, v19;
	v12 =	vsub.f32 v16, v12;
	vm3 =	vgt.f32 v17, $2.500000000e-01  }
0x96: {  	v8 =	vmul.f32 v8, v8;
	v11 =	vmul.f32 v11, v11;
	vm2 =	vgt.f32 v52, $2.500000000e-01  }
0x97: {  	v17 =	vnsel vm3, $0x0, v17;
	v57 =	vsel vm3, $0x3F800000, v0;
	v53 =	vsel vm2, $0x3F800000, v0  }
0x98: {  	v12 =	vmul.f32 v12, v12;
	v15 =	vnsel vm2, $0x0, v52;
	vm15 =	vgt.f32 v8, $2.500000000e-01  }
0x99: {  	vm4 =	vgt.f32 v11, $2.500000000e-01;
	v7 =	vadd.f32 v53, v7;
	v6 =	vadd.f32 v15, v6  }
0x9a: {  	v8 =	vnsel vm15, $0x0, v8;
	v59 =	vsel vm15, $0x3F800000, v0;
	v54 =	vsel vm4, $0x3F800000, v0  }
0x9b: {  	v11 =	vnsel vm4, $0x0, v11;
	v8 =	vadd.f32 v8, v51;
	v9 =	vadd.f32 v59, v9  }
0x9c: {  	vm14 =	vgt.f32 v12, $2.500000000e-01;
	v2 =	vadd.f32 v54, v2;
	v3 =	vadd.f32 v11, v3  }
0x9d: {  	v7 =	vadd.f32 v55, v7;
	v58 =	vnsel vm14, $0x0, v12;
	v6 =	vadd.f32 v10, v6  }
0x9e: {  	v56 =	vsel vm14, $0x3F800000, v0;
	v5 =	vadd.f32 v58, v5;
	v3 =	vadd.f32 v17, v3  }
0x9f: {  	v60 =	vsel vm0, $0x3F800000, v0;
	v4 =	vadd.f32 v56, v4;
	v2 =	vadd.f32 v57, v2  }
0xa0: {  	vm5 =	vgt.f32 v50, $2.500000000e-01;
	v1 =	vadd.f32 v1, v8;
	v3 =	vadd.f32 v6, v3  }
0xa1: {  	v61 =	vnsel vm5, $0x0, v50;
	v62 =	vadd.f32 v60, v9;
	v2 =	vadd.f32 v7, v2  }
0xa2: {  	v63 =	vsel vm5, $0x3F800000, v0;
	v5 =	vadd.f32 v61, v5;
	v1 =	vadd.f32 v1, v3  }
0xa3: {  	v3 =	vadd.f32 v63, v4;
	v2 =	vadd.f32 v62, v2  }
0xa4: {  	v1 =	vadd.f32 v5, v1  }
0xa5: {  	v2 =	vadd.f32 v3, v2  }
0xa6: {  	[tilespmem:$0x4000] =	vst v1  }
0xa7: {  	[tilespmem:$0x4080] =	vst v2  }
0xa8: {  	[hbm4b:s7+s2] =	stream.linear.scatter [tilespmem:s15], [sflag:$0x3], $0x80, $0x38;
	[tilespmem:$0x4100] =	vst v63  }
0xa9: {  	s18 =	sadd.s32 $0x1, s18;
	_ =	swait.ge [sflag:s16], $0x80  }
0xaa: {  	p0 =	sne.s32 s18, s9;
	[sflag:s16] =	ssyncset.done $0x0  }
.Ltmp2:
0xab: {  	[sflag:s16] =	ssyncadd.s32 $0xFFFFFF80;
	(pc) =	sbr.rel @p0 .LBB2_1-.Ltmp2, $4  }
0xac: {  	[hbm4b:s8+s2] =	stream.linear.scatter [tilespmem:s17], [sflag:$0x3], $0x80, $0x38;
	[tilespmem:$0x4100] =	vst v63  }
0xad: {  	_ =	swait.ge [sflag:s16], $0x80  }
0xae: {  	[sflag:s16] =	ssyncset.done $0x0  }
0xaf: {  	[sflag:s16] =	ssyncadd.s32 $0xFFFFFF80  }
0xb0: {  	_ =	sfence.sel $0x180000  }
0xb1: {  	[bflag:$0x0] =	sbarrier.arrive $0xFFFF  }
0xb2: {  	p0 =	sne.s32 s1, $0x0;
	_ =	strace $0x90000047  }
0xb3: {  	s0 =	sadd.s32 @!p0 $0x100000, s0;
	[bflag:$0x2] =	sbarrier.arrive $0xFFFF  }
0xb4: {  	[sflag:s0] =	ssyncadd.tile.s32 @!p0 $0x1;
	_ =	shalt  }
.Lfunc_end2:
_tile_overlayer_lowered:
.L_overlay_start_2:
0xb5: {  	(tag) =	ssettag $0x2  }
0xb6: {  	s0 =	rddreg [dreg:$0x0];
	s2 =	stileid.u32  }
0xb7: {  	s1 =	rddreg [dreg:$0x1];
	p0 =	sne.s32 s2, $0x0  }
0xb8: {  	s3 =	rddreg [dreg:$0x2];
	[bflag:$0x3] =	sbarrier.arrive $0xFFFF;
	s2 =	simm.s32 @!p0 $0x1C03  }
0xb9: {  	[timem:s3], [sflag:s2] =	dma.local @!p0 [hbm:s0], s1  }
0xba: {  	s0 =	simm.s32 @!p0 $0x3  }
0xbb: {  	_ =	swait.ge @!p0 [sflag:s0], s1  }
0xbc: {  	s1 =	ssub.s32 @!p0 $0x0, s1;
	[sflag:s0] =	ssyncset.done @!p0 $0x0  }
0xbd: {  	[sflag:s0] =	ssyncadd.s32 @!p0 s1  }
0xbe: {  	[bflag:$0x3] =	sbarrier.arrive $0xFFFF  }
0xbf: {  	_ =	shalt  }

</sc_bundles>
